<compile_context>
chip_gen: v7x
topology: tpu7x:2x2x1
jax: 0.10.2.dev20260603
libtpu: 0.0.44.dev20260713+nightly
codegen_flags: <defaults>
</compile_context>

<pallas_src>
import functools

import jax
import jax.numpy as jnp
from jax.experimental import pallas as pl
from jax.experimental.pallas import tpu as pltpu

B, L, H, D, S = 4, 2048, 16, 128, 64
T = B * L
TB = 1024
NT = T // TB


def _router_body(x_ref, w_ref, b_ref, ones_ref, idx_ref, loss_ref,
                 sums_ref, cnts_ref):
    t = pl.program_id(0)

    @pl.when(t == 0)
    def _init():
        sums_ref[...] = jnp.zeros_like(sums_ref)
        cnts_ref[...] = jnp.zeros_like(cnts_ref)

    ones_ref[...] = jnp.ones_like(ones_ref)

    iota = jax.lax.broadcasted_iota(jnp.int32, (TB, S), 1)
    idx_cols = []
    for h in range(H):
        xh = x_ref[:, h * D:(h + 1) * D]
        logits = jnp.dot(xh, w_ref[h],
                         preferred_element_type=jnp.float32)
        logits = logits + b_ref[h][None, :]
        m = jnp.max(logits, axis=1, keepdims=True)
        e = jnp.exp(logits - m)
        denom = jnp.sum(e, axis=1, keepdims=True)
        score_sum = jnp.sum(e / denom, axis=0)
        idx = jnp.min(jnp.where(logits == m, iota, S), axis=1)
        idx_cols.append(idx[:, None])
        onehot = (iota == idx[:, None]).astype(jnp.float32)
        cnt = jnp.sum(onehot, axis=0)
        sums_ref[h, :] = sums_ref[h, :] + score_sum
        cnts_ref[h, :] = cnts_ref[h, :] + cnt

    idx_ref[...] = jnp.concatenate(idx_cols, axis=1)

    @pl.when(t == pl.num_programs(0) - 1)
    def _finish():
        prod = sums_ref[...] * cnts_ref[...]
        loss_ref[...] = (float(S) / (T * T)) * jnp.sum(prod, keepdims=True).reshape(1, 1)


@functools.partial(jax.jit, static_argnames=())
def kernel(x, weight, bias):
    dtype = x.dtype
    x2 = x.reshape(T, H * D)
    wt = jnp.transpose(weight.astype(jnp.float32), (0, 2, 1))

    ones_out, idx_out, loss_out = pl.pallas_call(
        _router_body,
        grid=(NT,),
        in_specs=[
            pl.BlockSpec((TB, H * D), lambda t: (t, 0)),
            pl.BlockSpec((H, D, S), lambda t: (0, 0, 0)),
            pl.BlockSpec((H, S), lambda t: (0, 0)),
        ],
        out_specs=[
            pl.BlockSpec((TB, H), lambda t: (t, 0)),
            pl.BlockSpec((TB, H), lambda t: (t, 0)),
            pl.BlockSpec((1, 1), lambda t: (0, 0)),
        ],
        out_shape=[
            jax.ShapeDtypeStruct((T, H), jnp.float32),
            jax.ShapeDtypeStruct((T, H), jnp.int32),
            jax.ShapeDtypeStruct((1, 1), jnp.float32),
        ],
        scratch_shapes=[
            pltpu.VMEM((H, S), jnp.float32),
            pltpu.VMEM((H, S), jnp.float32),
        ],
        compiler_params=pltpu.CompilerParams(
            dimension_semantics=("arbitrary",),
        ),
    )(x2.astype(jnp.float32), wt, bias.astype(jnp.float32))

    sg = ones_out.reshape(B, L, H).astype(dtype)
    idx = idx_out.reshape(B, L, H)
    loss = loss_out[0, 0].astype(dtype)
    return (sg, idx, loss)

# --- scband reference (transcript-rebuilt; emitter-appended) ---
"""Pipeline reference for scband-multi-head-router-26345329394138 (READ-ONLY COPY).

The authoritative reference and input builder live on the scoring server;
editing this copy changes nothing except your own understanding.
"""

import jax, jax.numpy as jnp
import numpy as np

B, L, H, D, S = 4, 2048, 16, 128, 64


def setup_inputs(seed: int = 0) -> dict:
    key = jax.random.key(seed)
    k1, k2, k3 = jax.random.split(key, 3)
    x = jax.random.normal(k1, (B, L, H, D), dtype=jnp.float32)
    weight = jax.random.normal(k2, (H, S, D), dtype=jnp.float32)
    bias = jax.random.normal(k3, (H, S), dtype=jnp.float32)
    return {"x": x, "weight": weight, "bias": bias}


def reference(x, weight, bias):
    Bb, Ll, Hh, Dd = x.shape
    T = Bb * Ll
    Ss = weight.shape[1]
    dtype = x.dtype
    # router logits: einsum('bnhd,hsd->bnhs') + bias, in float32
    output = jnp.einsum('bnhd,hsd->bnhs', x.astype(jnp.float32), weight.astype(jnp.float32)) + bias.astype(jnp.float32)
    score = jax.nn.softmax(output, axis=-1)
    indices = jnp.argmax(score, axis=-1).astype(jnp.int32)
    # GradTop1: forward is all-ones of shape [B, L, H]; backward scatters grad into score
    # at the argmax index. Replicate via straight-through: 1 + taken - stop_grad(taken).
    taken = jnp.take_along_axis(score, indices[..., None], axis=-1)[..., 0]
    sg_indices = jnp.ones_like(taken) + taken - jax.lax.stop_gradient(taken)
    # bincount over all T tokens, per head, per state -> [H, S]
    onehot = jax.nn.one_hot(indices.reshape(T, Hh), Ss, dtype=jnp.float32)
    bin_indices = jnp.sum(onehot, axis=0)
    mean_indices = bin_indices / T  # constant w.r.t. grads (argmax path is non-diff)
    balance_loss = Ss * jnp.sum(jnp.mean(mean_indices[None, None, :, :] * score, axis=(0, 1)))
    return (sg_indices.astype(dtype), indices, balance_loss.astype(dtype))

if __name__ == "__main__":
    import jax
    _d = setup_inputs()
    print(jax.jit(kernel)(*tuple(_d.values())))

</pallas_src>

<mosaic_0001>
module attributes {stable_mosaic.version = 14 : i64} {
  func.func @_router_body(%arg0: i32, %arg1: memref<1024x2048xf32, #tpu.memory_space<vmem>>, %arg2: memref<16x128x64xf32, #tpu.memory_space<vmem>>, %arg3: memref<16x64xf32, #tpu.memory_space<vmem>>, %arg4: memref<1024x16xf32, #tpu.memory_space<vmem>>, %arg5: memref<1024x16xi32, #tpu.memory_space<vmem>>, %arg6: memref<1x1xf32, #tpu.memory_space<vmem>>, %arg7: memref<16x64xf32, #tpu.memory_space<vmem>>, %arg8: memref<16x64xf32, #tpu.memory_space<vmem>>) attributes {dimension_semantics = [#tpu.dimension_semantics<arbitrary>], iteration_bounds = array<i64: 8>, scalar_prefetch = 0 : i64, scratch_operands = 2 : i64, tpu.core_type = #tpu.core_type<tc>, window_params = [{transform_indices = @transform_0, window_bounds = array<i64: 1024, 2048>}, {pipeline_mode = #tpu.pipeline_mode<synchronous>, transform_indices = @transform_1, window_bounds = array<i64: 16, 128, 64>}, {pipeline_mode = #tpu.pipeline_mode<synchronous>, transform_indices = @transform_2, window_bounds = array<i64: 16, 64>}, {transform_indices = @transform_3, window_bounds = array<i64: 1024, 16>}, {transform_indices = @transform_4, window_bounds = array<i64: 1024, 16>}, {pipeline_mode = #tpu.pipeline_mode<synchronous>, transform_indices = @transform_5, window_bounds = array<i64: 1, 1>}]} {
    %eq3A = arith.constant 0 : i32
    %eq3A_0 = arith.cmpi eq, %arg0, %eq3A : i32
    %convert_element_type3A = arith.extui %eq3A_0 : i1 to i32
    %cond3A = arith.constant 0 : i32
    %cond3A_1 = arith.cmpi ne, %convert_element_type3A, %cond3A : i32
    scf.if %cond3A_1 {
      %broadcast_in_dim3A_1042 = arith.constant 0.000000e+00 : f32
      %broadcast_in_dim3A_1043 = vector.broadcast %broadcast_in_dim3A_1042 : f32 to vector<16x64xf32>
      %swap3A_1044 = arith.constant 0 : index
      %swap3A_1045 = arith.constant 0 : index
      %swap3A_1046 = vector.load %arg7[%swap3A_1044, %swap3A_1045] : memref<16x64xf32, #tpu.memory_space<vmem>>, vector<16x64xf32>
      tpu.vector_store %arg7[%swap3A_1044, %swap3A_1045], %broadcast_in_dim3A_1043 {strides = array<i32>} : memref<16x64xf32, #tpu.memory_space<vmem>>, vector<16x64xf32>,
      %broadcast_in_dim3A_1047 = arith.constant 0.000000e+00 : f32
      %broadcast_in_dim3A_1048 = vector.broadcast %broadcast_in_dim3A_1047 : f32 to vector<16x64xf32>
      %swap3A_1049 = arith.constant 0 : index
      %swap3A_1050 = arith.constant 0 : index
      %swap3A_1051 = vector.load %arg8[%swap3A_1049, %swap3A_1050] : memref<16x64xf32, #tpu.memory_space<vmem>>, vector<16x64xf32>
      tpu.vector_store %arg8[%swap3A_1049, %swap3A_1050], %broadcast_in_dim3A_1048 {strides = array<i32>} : memref<16x64xf32, #tpu.memory_space<vmem>>, vector<16x64xf32>,
    } else {
    }
    %broadcast_in_dim3A = arith.constant 1.000000e+00 : f32
    %broadcast_in_dim3A_2 = vector.broadcast %broadcast_in_dim3A : f32 to vector<1024x16xf32>
    %swap3A = arith.constant 0 : index
    %swap3A_3 = arith.constant 0 : index
    %swap3A_4 = vector.load %arg4[%swap3A, %swap3A_3] : memref<1024x16xf32, #tpu.memory_space<vmem>>, vector<1024x16xf32>
    tpu.vector_store %arg4[%swap3A, %swap3A_3], %broadcast_in_dim3A_2 {strides = array<i32>} : memref<1024x16xf32, #tpu.memory_space<vmem>>, vector<1024x16xf32>,
    %iota3A = tpu.iota {dimensions = array<i32: 1>} : vector<1024x64xi32>
    %get3A = arith.constant 0 : index
    %get3A_5 = arith.constant 0 : index
    %get3A_6 = vector.load %arg1[%get3A, %get3A_5] : memref<1024x2048xf32, #tpu.memory_space<vmem>>, vector<1024x128xf32>
    %get3A_7 = arith.constant 0 : index
    %get3A_8 = arith.constant 0 : index
    %get3A_9 = arith.constant 0 : index
    %get3A_10 = vector.load %arg2[%get3A_7, %get3A_8, %get3A_9] : memref<16x128x64xf32, #tpu.memory_space<vmem>>, vector<1x128x64xf32>
    %get3A_11 = vector.shape_cast %get3A_10 : vector<1x128x64xf32> to vector<128x64xf32>
    %dot_general3A = arith.constant dense<0.000000e+00> : vector<1024x64xf32>
    %dot_general3A_12 = tpu.matmul %get3A_6, %get3A_11, %dot_general3A {dimension_numbers = #tpu.dot_dimension_numbers<[1], [0], [0], [1], [0, 0, 1, 1], [], []>, transpose_lhs_hint = false} : vector<1024x128xf32>, vector<128x64xf32>, vector<1024x64xf32> -> vector<1024x64xf32>
    %get3A_13 = arith.constant 0 : index
    %get3A_14 = arith.constant 0 : index
    %get3A_15 = vector.load %arg3[%get3A_13, %get3A_14] : memref<16x64xf32, #tpu.memory_space<vmem>>, vector<1x64xf32>
    %get3A_16 = vector.shape_cast %get3A_15 : vector<1x64xf32> to vector<64xf32>
    %broadcast_in_dim3A_17 = vector.shape_cast %get3A_16 : vector<64xf32> to vector<1x64xf32>
    %add3A = vector.broadcast %broadcast_in_dim3A_17 : vector<1x64xf32> to vector<1024x64xf32>
    %add3A_18 = arith.addf %dot_general3A_12, %add3A : vector<1024x64xf32>
    %reduce_max3A = arith.constant dense<0xFF800000> : vector<1024xf32>
    %reduce_max3A_19 = vector.multi_reduction <maximumf>, %add3A_18, %reduce_max3A [1] : vector<1024x64xf32> to vector<1024xf32>
    %broadcast_in_dim3A_20 = vector.shape_cast %reduce_max3A_19 : vector<1024xf32> to vector<1024x1xf32>
    %sub3A = vector.broadcast %broadcast_in_dim3A_20 : vector<1024x1xf32> to vector<1024x64xf32>
    %sub3A_21 = arith.subf %add3A_18, %sub3A : vector<1024x64xf32>
    %exp3A = math.exp %sub3A_21 : vector<1024x64xf32>
    %reduce_sum3A = arith.constant dense<0.000000e+00> : vector<1024xf32>
    %reduce_sum3A_22 = vector.multi_reduction <add>, %exp3A, %reduce_sum3A [1] : vector<1024x64xf32> to vector<1024xf32>
    %broadcast_in_dim3A_23 = vector.shape_cast %reduce_sum3A_22 : vector<1024xf32> to vector<1024x1xf32>
    %div3A = vector.broadcast %broadcast_in_dim3A_23 : vector<1024x1xf32> to vector<1024x64xf32>
    %div3A_24 = arith.divf %exp3A, %div3A : vector<1024x64xf32>
    %reduce_sum3A_25 = arith.constant dense<0.000000e+00> : vector<64xf32>
    %reduce_sum3A_26 = vector.multi_reduction <add>, %div3A_24, %reduce_sum3A_25 [0] : vector<1024x64xf32> to vector<64xf32>
    %eq3A_27 = vector.broadcast %broadcast_in_dim3A_20 : vector<1024x1xf32> to vector<1024x64xf32>
    %eq3A_28 = arith.cmpf oeq, %add3A_18, %eq3A_27 : vector<1024x64xf32>
    %jit3A = arith.constant 64 : i32
    %broadcast_in_dim3A_29 = vector.broadcast %jit3A : i32 to vector<1024x64xi32>
    %select_n3A = arith.select %eq3A_28, %iota3A, %broadcast_in_dim3A_29 : vector<1024x64xi1>, vector<1024x64xi32>
    %reduce_min3A = arith.constant dense<2147483647> : vector<1024xi32>
    %reduce_min3A_30 = vector.multi_reduction <minsi>, %select_n3A, %reduce_min3A [1] : vector<1024x64xi32> to vector<1024xi32>
    %broadcast_in_dim3A_31 = vector.shape_cast %reduce_min3A_30 : vector<1024xi32> to vector<1024x1xi32>
    %broadcast_in_dim3A_32 = vector.shape_cast %reduce_min3A_30 : vector<1024xi32> to vector<1024x1xi32>
    %eq3A_33 = vector.broadcast %broadcast_in_dim3A_32 : vector<1024x1xi32> to vector<1024x64xi32>
    %eq3A_34 = arith.cmpi eq, %iota3A, %eq3A_33 : vector<1024x64xi32>
    %convert_element_type3A_35 = arith.extui %eq3A_34 : vector<1024x64xi1> to vector<1024x64xi32>
    %convert_element_type3A_36 = arith.sitofp %convert_element_type3A_35 : vector<1024x64xi32> to vector<1024x64xf32>
    %reduce_sum3A_37 = arith.constant dense<0.000000e+00> : vector<64xf32>
    %reduce_sum3A_38 = vector.multi_reduction <add>, %convert_element_type3A_36, %reduce_sum3A_37 [0] : vector<1024x64xf32> to vector<64xf32>
    %get3A_39 = arith.constant 0 : index
    %get3A_40 = arith.constant 0 : index
    %get3A_41 = vector.load %arg7[%get3A_39, %get3A_40] : memref<16x64xf32, #tpu.memory_space<vmem>>, vector<1x64xf32>
    %get3A_42 = vector.shape_cast %get3A_41 : vector<1x64xf32> to vector<64xf32>
    %add3A_43 = arith.addf %get3A_42, %reduce_sum3A_26 : vector<64xf32>
    %swap3A_44 = arith.constant 0 : index
    %swap3A_45 = arith.constant 0 : index
    %swap3A_46 = vector.load %arg7[%swap3A_44, %swap3A_45] : memref<16x64xf32, #tpu.memory_space<vmem>>, vector<1x64xf32>
    %swap3A_47 = vector.shape_cast %swap3A_46 : vector<1x64xf32> to vector<64xf32>
    %swap3A_48 = vector.shape_cast %add3A_43 : vector<64xf32> to vector<1x64xf32>
    tpu.vector_store %arg7[%swap3A_44, %swap3A_45], %swap3A_48 {strides = array<i32>} : memref<16x64xf32, #tpu.memory_space<vmem>>, vector<1x64xf32>,
    %get3A_49 = arith.constant 0 : index
    %get3A_50 = arith.constant 0 : index
    %get3A_51 = vector.load %arg8[%get3A_49, %get3A_50] : memref<16x64xf32, #tpu.memory_space<vmem>>, vector<1x64xf32>
    %get3A_52 = vector.shape_cast %get3A_51 : vector<1x64xf32> to vector<64xf32>
    %add3A_53 = arith.addf %get3A_52, %reduce_sum3A_38 : vector<64xf32>
    %swap3A_54 = arith.constant 0 : index
    %swap3A_55 = arith.constant 0 : index
    %swap3A_56 = vector.load %arg8[%swap3A_54, %swap3A_55] : memref<16x64xf32, #tpu.memory_space<vmem>>, vector<1x64xf32>
    %swap3A_57 = vector.shape_cast %swap3A_56 : vector<1x64xf32> to vector<64xf32>
    %swap3A_58 = vector.shape_cast %add3A_53 : vector<64xf32> to vector<1x64xf32>
    tpu.vector_store %arg8[%swap3A_54, %swap3A_55], %swap3A_58 {strides = array<i32>} : memref<16x64xf32, #tpu.memory_space<vmem>>, vector<1x64xf32>,
    %get3A_59 = arith.constant 0 : index
    %get3A_60 = arith.constant 128 : index
    %get3A_61 = vector.load %arg1[%get3A_59, %get3A_60] : memref<1024x2048xf32, #tpu.memory_space<vmem>>, vector<1024x128xf32>
    %get3A_62 = arith.constant 1 : index
    %get3A_63 = arith.constant 0 : index
    %get3A_64 = arith.constant 0 : index
    %get3A_65 = vector.load %arg2[%get3A_62, %get3A_63, %get3A_64] : memref<16x128x64xf32, #tpu.memory_space<vmem>>, vector<1x128x64xf32>
    %get3A_66 = vector.shape_cast %get3A_65 : vector<1x128x64xf32> to vector<128x64xf32>
    %dot_general3A_67 = arith.constant dense<0.000000e+00> : vector<1024x64xf32>
    %dot_general3A_68 = tpu.matmul %get3A_61, %get3A_66, %dot_general3A_67 {dimension_numbers = #tpu.dot_dimension_numbers<[1], [0], [0], [1], [0, 0, 1, 1], [], []>, transpose_lhs_hint = false} : vector<1024x128xf32>, vector<128x64xf32>, vector<1024x64xf32> -> vector<1024x64xf32>
    %get3A_69 = arith.constant 1 : index
    %get3A_70 = arith.constant 0 : index
    %get3A_71 = vector.load %arg3[%get3A_69, %get3A_70] : memref<16x64xf32, #tpu.memory_space<vmem>>, vector<1x64xf32>
    %get3A_72 = vector.shape_cast %get3A_71 : vector<1x64xf32> to vector<64xf32>
    %broadcast_in_dim3A_73 = vector.shape_cast %get3A_72 : vector<64xf32> to vector<1x64xf32>
    %add3A_74 = vector.broadcast %broadcast_in_dim3A_73 : vector<1x64xf32> to vector<1024x64xf32>
    %add3A_75 = arith.addf %dot_general3A_68, %add3A_74 : vector<1024x64xf32>
    %reduce_max3A_76 = arith.constant dense<0xFF800000> : vector<1024xf32>
    %reduce_max3A_77 = vector.multi_reduction <maximumf>, %add3A_75, %reduce_max3A_76 [1] : vector<1024x64xf32> to vector<1024xf32>
    %broadcast_in_dim3A_78 = vector.shape_cast %reduce_max3A_77 : vector<1024xf32> to vector<1024x1xf32>
    %sub3A_79 = vector.broadcast %broadcast_in_dim3A_78 : vector<1024x1xf32> to vector<1024x64xf32>
    %sub3A_80 = arith.subf %add3A_75, %sub3A_79 : vector<1024x64xf32>
    %exp3A_81 = math.exp %sub3A_80 : vector<1024x64xf32>
    %reduce_sum3A_82 = arith.constant dense<0.000000e+00> : vector<1024xf32>
    %reduce_sum3A_83 = vector.multi_reduction <add>, %exp3A_81, %reduce_sum3A_82 [1] : vector<1024x64xf32> to vector<1024xf32>
    %broadcast_in_dim3A_84 = vector.shape_cast %reduce_sum3A_83 : vector<1024xf32> to vector<1024x1xf32>
    %div3A_85 = vector.broadcast %broadcast_in_dim3A_84 : vector<1024x1xf32> to vector<1024x64xf32>
    %div3A_86 = arith.divf %exp3A_81, %div3A_85 : vector<1024x64xf32>
    %reduce_sum3A_87 = arith.constant dense<0.000000e+00> : vector<64xf32>
    %reduce_sum3A_88 = vector.multi_reduction <add>, %div3A_86, %reduce_sum3A_87 [0] : vector<1024x64xf32> to vector<64xf32>
    %eq3A_89 = vector.broadcast %broadcast_in_dim3A_78 : vector<1024x1xf32> to vector<1024x64xf32>
    %eq3A_90 = arith.cmpf oeq, %add3A_75, %eq3A_89 : vector<1024x64xf32>
    %jit3A_91 = arith.constant 64 : i32
    %broadcast_in_dim3A_92 = vector.broadcast %jit3A_91 : i32 to vector<1024x64xi32>
    %select_n3A_93 = arith.select %eq3A_90, %iota3A, %broadcast_in_dim3A_92 : vector<1024x64xi1>, vector<1024x64xi32>
    %reduce_min3A_94 = arith.constant dense<2147483647> : vector<1024xi32>
    %reduce_min3A_95 = vector.multi_reduction <minsi>, %select_n3A_93, %reduce_min3A_94 [1] : vector<1024x64xi32> to vector<1024xi32>
    %broadcast_in_dim3A_96 = vector.shape_cast %reduce_min3A_95 : vector<1024xi32> to vector<1024x1xi32>
    %broadcast_in_dim3A_97 = vector.shape_cast %reduce_min3A_95 : vector<1024xi32> to vector<1024x1xi32>
    %eq3A_98 = vector.broadcast %broadcast_in_dim3A_97 : vector<1024x1xi32> to vector<1024x64xi32>
    %eq3A_99 = arith.cmpi eq, %iota3A, %eq3A_98 : vector<1024x64xi32>
    %convert_element_type3A_100 = arith.extui %eq3A_99 : vector<1024x64xi1> to vector<1024x64xi32>
    %convert_element_type3A_101 = arith.sitofp %convert_element_type3A_100 : vector<1024x64xi32> to vector<1024x64xf32>
    %reduce_sum3A_102 = arith.constant dense<0.000000e+00> : vector<64xf32>
    %reduce_sum3A_103 = vector.multi_reduction <add>, %convert_element_type3A_101, %reduce_sum3A_102 [0] : vector<1024x64xf32> to vector<64xf32>
    %get3A_104 = arith.constant 1 : index
    %get3A_105 = arith.constant 0 : index
    %get3A_106 = vector.load %arg7[%get3A_104, %get3A_105] : memref<16x64xf32, #tpu.memory_space<vmem>>, vector<1x64xf32>
    %get3A_107 = vector.shape_cast %get3A_106 : vector<1x64xf32> to vector<64xf32>
    %add3A_108 = arith.addf %get3A_107, %reduce_sum3A_88 : vector<64xf32>
    %swap3A_109 = arith.constant 1 : index
    %swap3A_110 = arith.constant 0 : index
    %swap3A_111 = vector.load %arg7[%swap3A_109, %swap3A_110] : memref<16x64xf32, #tpu.memory_space<vmem>>, vector<1x64xf32>
    %swap3A_112 = vector.shape_cast %swap3A_111 : vector<1x64xf32> to vector<64xf32>
    %swap3A_113 = vector.shape_cast %add3A_108 : vector<64xf32> to vector<1x64xf32>
    tpu.vector_store %arg7[%swap3A_109, %swap3A_110], %swap3A_113 {strides = array<i32>} : memref<16x64xf32, #tpu.memory_space<vmem>>, vector<1x64xf32>,
    %get3A_114 = arith.constant 1 : index
    %get3A_115 = arith.constant 0 : index
    %get3A_116 = vector.load %arg8[%get3A_114, %get3A_115] : memref<16x64xf32, #tpu.memory_space<vmem>>, vector<1x64xf32>
    %get3A_117 = vector.shape_cast %get3A_116 : vector<1x64xf32> to vector<64xf32>
    %add3A_118 = arith.addf %get3A_117, %reduce_sum3A_103 : vector<64xf32>
    %swap3A_119 = arith.constant 1 : index
    %swap3A_120 = arith.constant 0 : index
    %swap3A_121 = vector.load %arg8[%swap3A_119, %swap3A_120] : memref<16x64xf32, #tpu.memory_space<vmem>>, vector<1x64xf32>
    %swap3A_122 = vector.shape_cast %swap3A_121 : vector<1x64xf32> to vector<64xf32>
    %swap3A_123 = vector.shape_cast %add3A_118 : vector<64xf32> to vector<1x64xf32>
    tpu.vector_store %arg8[%swap3A_119, %swap3A_120], %swap3A_123 {strides = array<i32>} : memref<16x64xf32, #tpu.memory_space<vmem>>, vector<1x64xf32>,
    %get3A_124 = arith.constant 0 : index
    %get3A_125 = arith.constant 256 : index
    %get3A_126 = vector.load %arg1[%get3A_124, %get3A_125] : memref<1024x2048xf32, #tpu.memory_space<vmem>>, vector<1024x128xf32>
    %get3A_127 = arith.constant 2 : index
    %get3A_128 = arith.constant 0 : index
    %get3A_129 = arith.constant 0 : index
    %get3A_130 = vector.load %arg2[%get3A_127, %get3A_128, %get3A_129] : memref<16x128x64xf32, #tpu.memory_space<vmem>>, vector<1x128x64xf32>
    %get3A_131 = vector.shape_cast %get3A_130 : vector<1x128x64xf32> to vector<128x64xf32>
    %dot_general3A_132 = arith.constant dense<0.000000e+00> : vector<1024x64xf32>
    %dot_general3A_133 = tpu.matmul %get3A_126, %get3A_131, %dot_general3A_132 {dimension_numbers = #tpu.dot_dimension_numbers<[1], [0], [0], [1], [0, 0, 1, 1], [], []>, transpose_lhs_hint = false} : vector<1024x128xf32>, vector<128x64xf32>, vector<1024x64xf32> -> vector<1024x64xf32>
    %get3A_134 = arith.constant 2 : index
    %get3A_135 = arith.constant 0 : index
    %get3A_136 = vector.load %arg3[%get3A_134, %get3A_135] : memref<16x64xf32, #tpu.memory_space<vmem>>, vector<1x64xf32>
    %get3A_137 = vector.shape_cast %get3A_136 : vector<1x64xf32> to vector<64xf32>
    %broadcast_in_dim3A_138 = vector.shape_cast %get3A_137 : vector<64xf32> to vector<1x64xf32>
    %add3A_139 = vector.broadcast %broadcast_in_dim3A_138 : vector<1x64xf32> to vector<1024x64xf32>
    %add3A_140 = arith.addf %dot_general3A_133, %add3A_139 : vector<1024x64xf32>
    %reduce_max3A_141 = arith.constant dense<0xFF800000> : vector<1024xf32>
    %reduce_max3A_142 = vector.multi_reduction <maximumf>, %add3A_140, %reduce_max3A_141 [1] : vector<1024x64xf32> to vector<1024xf32>
    %broadcast_in_dim3A_143 = vector.shape_cast %reduce_max3A_142 : vector<1024xf32> to vector<1024x1xf32>
    %sub3A_144 = vector.broadcast %broadcast_in_dim3A_143 : vector<1024x1xf32> to vector<1024x64xf32>
    %sub3A_145 = arith.subf %add3A_140, %sub3A_144 : vector<1024x64xf32>
    %exp3A_146 = math.exp %sub3A_145 : vector<1024x64xf32>
    %reduce_sum3A_147 = arith.constant dense<0.000000e+00> : vector<1024xf32>
    %reduce_sum3A_148 = vector.multi_reduction <add>, %exp3A_146, %reduce_sum3A_147 [1] : vector<1024x64xf32> to vector<1024xf32>
    %broadcast_in_dim3A_149 = vector.shape_cast %reduce_sum3A_148 : vector<1024xf32> to vector<1024x1xf32>
    %div3A_150 = vector.broadcast %broadcast_in_dim3A_149 : vector<1024x1xf32> to vector<1024x64xf32>
    %div3A_151 = arith.divf %exp3A_146, %div3A_150 : vector<1024x64xf32>
    %reduce_sum3A_152 = arith.constant dense<0.000000e+00> : vector<64xf32>
    %reduce_sum3A_153 = vector.multi_reduction <add>, %div3A_151, %reduce_sum3A_152 [0] : vector<1024x64xf32> to vector<64xf32>
    %eq3A_154 = vector.broadcast %broadcast_in_dim3A_143 : vector<1024x1xf32> to vector<1024x64xf32>
    %eq3A_155 = arith.cmpf oeq, %add3A_140, %eq3A_154 : vector<1024x64xf32>
    %jit3A_156 = arith.constant 64 : i32
    %broadcast_in_dim3A_157 = vector.broadcast %jit3A_156 : i32 to vector<1024x64xi32>
    %select_n3A_158 = arith.select %eq3A_155, %iota3A, %broadcast_in_dim3A_157 : vector<1024x64xi1>, vector<1024x64xi32>
    %reduce_min3A_159 = arith.constant dense<2147483647> : vector<1024xi32>
    %reduce_min3A_160 = vector.multi_reduction <minsi>, %select_n3A_158, %reduce_min3A_159 [1] : vector<1024x64xi32> to vector<1024xi32>
    %broadcast_in_dim3A_161 = vector.shape_cast %reduce_min3A_160 : vector<1024xi32> to vector<1024x1xi32>
    %broadcast_in_dim3A_162 = vector.shape_cast %reduce_min3A_160 : vector<1024xi32> to vector<1024x1xi32>
    %eq3A_163 = vector.broadcast %broadcast_in_dim3A_162 : vector<1024x1xi32> to vector<1024x64xi32>
    %eq3A_164 = arith.cmpi eq, %iota3A, %eq3A_163 : vector<1024x64xi32>
    %convert_element_type3A_165 = arith.extui %eq3A_164 : vector<1024x64xi1> to vector<1024x64xi32>
    %convert_element_type3A_166 = arith.sitofp %convert_element_type3A_165 : vector<1024x64xi32> to vector<1024x64xf32>
    %reduce_sum3A_167 = arith.constant dense<0.000000e+00> : vector<64xf32>
    %reduce_sum3A_168 = vector.multi_reduction <add>, %convert_element_type3A_166, %reduce_sum3A_167 [0] : vector<1024x64xf32> to vector<64xf32>
    %get3A_169 = arith.constant 2 : index
    %get3A_170 = arith.constant 0 : index
    %get3A_171 = vector.load %arg7[%get3A_169, %get3A_170] : memref<16x64xf32, #tpu.memory_space<vmem>>, vector<1x64xf32>
    %get3A_172 = vector.shape_cast %get3A_171 : vector<1x64xf32> to vector<64xf32>
    %add3A_173 = arith.addf %get3A_172, %reduce_sum3A_153 : vector<64xf32>
    %swap3A_174 = arith.constant 2 : index
    %swap3A_175 = arith.constant 0 : index
    %swap3A_176 = vector.load %arg7[%swap3A_174, %swap3A_175] : memref<16x64xf32, #tpu.memory_space<vmem>>, vector<1x64xf32>
    %swap3A_177 = vector.shape_cast %swap3A_176 : vector<1x64xf32> to vector<64xf32>
    %swap3A_178 = vector.shape_cast %add3A_173 : vector<64xf32> to vector<1x64xf32>
    tpu.vector_store %arg7[%swap3A_174, %swap3A_175], %swap3A_178 {strides = array<i32>} : memref<16x64xf32, #tpu.memory_space<vmem>>, vector<1x64xf32>,
    %get3A_179 = arith.constant 2 : index
    %get3A_180 = arith.constant 0 : index
    %get3A_181 = vector.load %arg8[%get3A_179, %get3A_180] : memref<16x64xf32, #tpu.memory_space<vmem>>, vector<1x64xf32>
    %get3A_182 = vector.shape_cast %get3A_181 : vector<1x64xf32> to vector<64xf32>
    %add3A_183 = arith.addf %get3A_182, %reduce_sum3A_168 : vector<64xf32>
    %swap3A_184 = arith.constant 2 : index
    %swap3A_185 = arith.constant 0 : index
    %swap3A_186 = vector.load %arg8[%swap3A_184, %swap3A_185] : memref<16x64xf32, #tpu.memory_space<vmem>>, vector<1x64xf32>
    %swap3A_187 = vector.shape_cast %swap3A_186 : vector<1x64xf32> to vector<64xf32>
    %swap3A_188 = vector.shape_cast %add3A_183 : vector<64xf32> to vector<1x64xf32>
    tpu.vector_store %arg8[%swap3A_184, %swap3A_185], %swap3A_188 {strides = array<i32>} : memref<16x64xf32, #tpu.memory_space<vmem>>, vector<1x64xf32>,
    %get3A_189 = arith.constant 0 : index
    %get3A_190 = arith.constant 384 : index
    %get3A_191 = vector.load %arg1[%get3A_189, %get3A_190] : memref<1024x2048xf32, #tpu.memory_space<vmem>>, vector<1024x128xf32>
    %get3A_192 = arith.constant 3 : index
    %get3A_193 = arith.constant 0 : index
    %get3A_194 = arith.constant 0 : index
    %get3A_195 = vector.load %arg2[%get3A_192, %get3A_193, %get3A_194] : memref<16x128x64xf32, #tpu.memory_space<vmem>>, vector<1x128x64xf32>
    %get3A_196 = vector.shape_cast %get3A_195 : vector<1x128x64xf32> to vector<128x64xf32>
    %dot_general3A_197 = arith.constant dense<0.000000e+00> : vector<1024x64xf32>
    %dot_general3A_198 = tpu.matmul %get3A_191, %get3A_196, %dot_general3A_197 {dimension_numbers = #tpu.dot_dimension_numbers<[1], [0], [0], [1], [0, 0, 1, 1], [], []>, transpose_lhs_hint = false} : vector<1024x128xf32>, vector<128x64xf32>, vector<1024x64xf32> -> vector<1024x64xf32>
    %get3A_199 = arith.constant 3 : index
    %get3A_200 = arith.constant 0 : index
    %get3A_201 = vector.load %arg3[%get3A_199, %get3A_200] : memref<16x64xf32, #tpu.memory_space<vmem>>, vector<1x64xf32>
    %get3A_202 = vector.shape_cast %get3A_201 : vector<1x64xf32> to vector<64xf32>
    %broadcast_in_dim3A_203 = vector.shape_cast %get3A_202 : vector<64xf32> to vector<1x64xf32>
    %add3A_204 = vector.broadcast %broadcast_in_dim3A_203 : vector<1x64xf32> to vector<1024x64xf32>
    %add3A_205 = arith.addf %dot_general3A_198, %add3A_204 : vector<1024x64xf32>
    %reduce_max3A_206 = arith.constant dense<0xFF800000> : vector<1024xf32>
    %reduce_max3A_207 = vector.multi_reduction <maximumf>, %add3A_205, %reduce_max3A_206 [1] : vector<1024x64xf32> to vector<1024xf32>
    %broadcast_in_dim3A_208 = vector.shape_cast %reduce_max3A_207 : vector<1024xf32> to vector<1024x1xf32>
    %sub3A_209 = vector.broadcast %broadcast_in_dim3A_208 : vector<1024x1xf32> to vector<1024x64xf32>
    %sub3A_210 = arith.subf %add3A_205, %sub3A_209 : vector<1024x64xf32>
    %exp3A_211 = math.exp %sub3A_210 : vector<1024x64xf32>
    %reduce_sum3A_212 = arith.constant dense<0.000000e+00> : vector<1024xf32>
    %reduce_sum3A_213 = vector.multi_reduction <add>, %exp3A_211, %reduce_sum3A_212 [1] : vector<1024x64xf32> to vector<1024xf32>
    %broadcast_in_dim3A_214 = vector.shape_cast %reduce_sum3A_213 : vector<1024xf32> to vector<1024x1xf32>
    %div3A_215 = vector.broadcast %broadcast_in_dim3A_214 : vector<1024x1xf32> to vector<1024x64xf32>
    %div3A_216 = arith.divf %exp3A_211, %div3A_215 : vector<1024x64xf32>
    %reduce_sum3A_217 = arith.constant dense<0.000000e+00> : vector<64xf32>
    %reduce_sum3A_218 = vector.multi_reduction <add>, %div3A_216, %reduce_sum3A_217 [0] : vector<1024x64xf32> to vector<64xf32>
    %eq3A_219 = vector.broadcast %broadcast_in_dim3A_208 : vector<1024x1xf32> to vector<1024x64xf32>
    %eq3A_220 = arith.cmpf oeq, %add3A_205, %eq3A_219 : vector<1024x64xf32>
    %jit3A_221 = arith.constant 64 : i32
    %broadcast_in_dim3A_222 = vector.broadcast %jit3A_221 : i32 to vector<1024x64xi32>
    %select_n3A_223 = arith.select %eq3A_220, %iota3A, %broadcast_in_dim3A_222 : vector<1024x64xi1>, vector<1024x64xi32>
    %reduce_min3A_224 = arith.constant dense<2147483647> : vector<1024xi32>
    %reduce_min3A_225 = vector.multi_reduction <minsi>, %select_n3A_223, %reduce_min3A_224 [1] : vector<1024x64xi32> to vector<1024xi32>
    %broadcast_in_dim3A_226 = vector.shape_cast %reduce_min3A_225 : vector<1024xi32> to vector<1024x1xi32>
    %broadcast_in_dim3A_227 = vector.shape_cast %reduce_min3A_225 : vector<1024xi32> to vector<1024x1xi32>
    %eq3A_228 = vector.broadcast %broadcast_in_dim3A_227 : vector<1024x1xi32> to vector<1024x64xi32>
    %eq3A_229 = arith.cmpi eq, %iota3A, %eq3A_228 : vector<1024x64xi32>
    %convert_element_type3A_230 = arith.extui %eq3A_229 : vector<1024x64xi1> to vector<1024x64xi32>
    %convert_element_type3A_231 = arith.sitofp %convert_element_type3A_230 : vector<1024x64xi32> to vector<1024x64xf32>
    %reduce_sum3A_232 = arith.constant dense<0.000000e+00> : vector<64xf32>
    %reduce_sum3A_233 = vector.multi_reduction <add>, %convert_element_type3A_231, %reduce_sum3A_232 [0] : vector<1024x64xf32> to vector<64xf32>
    %get3A_234 = arith.constant 3 : index
    %get3A_235 = arith.constant 0 : index
    %get3A_236 = vector.load %arg7[%get3A_234, %get3A_235] : memref<16x64xf32, #tpu.memory_space<vmem>>, vector<1x64xf32>
    %get3A_237 = vector.shape_cast %get3A_236 : vector<1x64xf32> to vector<64xf32>
    %add3A_238 = arith.addf %get3A_237, %reduce_sum3A_218 : vector<64xf32>
    %swap3A_239 = arith.constant 3 : index
    %swap3A_240 = arith.constant 0 : index
    %swap3A_241 = vector.load %arg7[%swap3A_239, %swap3A_240] : memref<16x64xf32, #tpu.memory_space<vmem>>, vector<1x64xf32>
    %swap3A_242 = vector.shape_cast %swap3A_241 : vector<1x64xf32> to vector<64xf32>
    %swap3A_243 = vector.shape_cast %add3A_238 : vector<64xf32> to vector<1x64xf32>
    tpu.vector_store %arg7[%swap3A_239, %swap3A_240], %swap3A_243 {strides = array<i32>} : memref<16x64xf32, #tpu.memory_space<vmem>>, vector<1x64xf32>,
    %get3A_244 = arith.constant 3 : index
    %get3A_245 = arith.constant 0 : index
    %get3A_246 = vector.load %arg8[%get3A_244, %get3A_245] : memref<16x64xf32, #tpu.memory_space<vmem>>, vector<1x64xf32>
    %get3A_247 = vector.shape_cast %get3A_246 : vector<1x64xf32> to vector<64xf32>
    %add3A_248 = arith.addf %get3A_247, %reduce_sum3A_233 : vector<64xf32>
    %swap3A_249 = arith.constant 3 : index
    %swap3A_250 = arith.constant 0 : index
    %swap3A_251 = vector.load %arg8[%swap3A_249, %swap3A_250] : memref<16x64xf32, #tpu.memory_space<vmem>>, vector<1x64xf32>
    %swap3A_252 = vector.shape_cast %swap3A_251 : vector<1x64xf32> to vector<64xf32>
    %swap3A_253 = vector.shape_cast %add3A_248 : vector<64xf32> to vector<1x64xf32>
    tpu.vector_store %arg8[%swap3A_249, %swap3A_250], %swap3A_253 {strides = array<i32>} : memref<16x64xf32, #tpu.memory_space<vmem>>, vector<1x64xf32>,
    %get3A_254 = arith.constant 0 : index
    %get3A_255 = arith.constant 512 : index
    %get3A_256 = vector.load %arg1[%get3A_254, %get3A_255] : memref<1024x2048xf32, #tpu.memory_space<vmem>>, vector<1024x128xf32>
    %get3A_257 = arith.constant 4 : index
    %get3A_258 = arith.constant 0 : index
    %get3A_259 = arith.constant 0 : index
    %get3A_260 = vector.load %arg2[%get3A_257, %get3A_258, %get3A_259] : memref<16x128x64xf32, #tpu.memory_space<vmem>>, vector<1x128x64xf32>
    %get3A_261 = vector.shape_cast %get3A_260 : vector<1x128x64xf32> to vector<128x64xf32>
    %dot_general3A_262 = arith.constant dense<0.000000e+00> : vector<1024x64xf32>
    %dot_general3A_263 = tpu.matmul %get3A_256, %get3A_261, %dot_general3A_262 {dimension_numbers = #tpu.dot_dimension_numbers<[1], [0], [0], [1], [0, 0, 1, 1], [], []>, transpose_lhs_hint = false} : vector<1024x128xf32>, vector<128x64xf32>, vector<1024x64xf32> -> vector<1024x64xf32>
    %get3A_264 = arith.constant 4 : index
    %get3A_265 = arith.constant 0 : index
    %get3A_266 = vector.load %arg3[%get3A_264, %get3A_265] : memref<16x64xf32, #tpu.memory_space<vmem>>, vector<1x64xf32>
    %get3A_267 = vector.shape_cast %get3A_266 : vector<1x64xf32> to vector<64xf32>
    %broadcast_in_dim3A_268 = vector.shape_cast %get3A_267 : vector<64xf32> to vector<1x64xf32>
    %add3A_269 = vector.broadcast %broadcast_in_dim3A_268 : vector<1x64xf32> to vector<1024x64xf32>
    %add3A_270 = arith.addf %dot_general3A_263, %add3A_269 : vector<1024x64xf32>
    %reduce_max3A_271 = arith.constant dense<0xFF800000> : vector<1024xf32>
    %reduce_max3A_272 = vector.multi_reduction <maximumf>, %add3A_270, %reduce_max3A_271 [1] : vector<1024x64xf32> to vector<1024xf32>
    %broadcast_in_dim3A_273 = vector.shape_cast %reduce_max3A_272 : vector<1024xf32> to vector<1024x1xf32>
    %sub3A_274 = vector.broadcast %broadcast_in_dim3A_273 : vector<1024x1xf32> to vector<1024x64xf32>
    %sub3A_275 = arith.subf %add3A_270, %sub3A_274 : vector<1024x64xf32>
    %exp3A_276 = math.exp %sub3A_275 : vector<1024x64xf32>
    %reduce_sum3A_277 = arith.constant dense<0.000000e+00> : vector<1024xf32>
    %reduce_sum3A_278 = vector.multi_reduction <add>, %exp3A_276, %reduce_sum3A_277 [1] : vector<1024x64xf32> to vector<1024xf32>
    %broadcast_in_dim3A_279 = vector.shape_cast %reduce_sum3A_278 : vector<1024xf32> to vector<1024x1xf32>
    %div3A_280 = vector.broadcast %broadcast_in_dim3A_279 : vector<1024x1xf32> to vector<1024x64xf32>
    %div3A_281 = arith.divf %exp3A_276, %div3A_280 : vector<1024x64xf32>
    %reduce_sum3A_282 = arith.constant dense<0.000000e+00> : vector<64xf32>
    %reduce_sum3A_283 = vector.multi_reduction <add>, %div3A_281, %reduce_sum3A_282 [0] : vector<1024x64xf32> to vector<64xf32>
    %eq3A_284 = vector.broadcast %broadcast_in_dim3A_273 : vector<1024x1xf32> to vector<1024x64xf32>
    %eq3A_285 = arith.cmpf oeq, %add3A_270, %eq3A_284 : vector<1024x64xf32>
    %jit3A_286 = arith.constant 64 : i32
    %broadcast_in_dim3A_287 = vector.broadcast %jit3A_286 : i32 to vector<1024x64xi32>
    %select_n3A_288 = arith.select %eq3A_285, %iota3A, %broadcast_in_dim3A_287 : vector<1024x64xi1>, vector<1024x64xi32>
    %reduce_min3A_289 = arith.constant dense<2147483647> : vector<1024xi32>
    %reduce_min3A_290 = vector.multi_reduction <minsi>, %select_n3A_288, %reduce_min3A_289 [1] : vector<1024x64xi32> to vector<1024xi32>
    %broadcast_in_dim3A_291 = vector.shape_cast %reduce_min3A_290 : vector<1024xi32> to vector<1024x1xi32>
    %broadcast_in_dim3A_292 = vector.shape_cast %reduce_min3A_290 : vector<1024xi32> to vector<1024x1xi32>
    %eq3A_293 = vector.broadcast %broadcast_in_dim3A_292 : vector<1024x1xi32> to vector<1024x64xi32>
    %eq3A_294 = arith.cmpi eq, %iota3A, %eq3A_293 : vector<1024x64xi32>
    %convert_element_type3A_295 = arith.extui %eq3A_294 : vector<1024x64xi1> to vector<1024x64xi32>
    %convert_element_type3A_296 = arith.sitofp %convert_element_type3A_295 : vector<1024x64xi32> to vector<1024x64xf32>
    %reduce_sum3A_297 = arith.constant dense<0.000000e+00> : vector<64xf32>
    %reduce_sum3A_298 = vector.multi_reduction <add>, %convert_element_type3A_296, %reduce_sum3A_297 [0] : vector<1024x64xf32> to vector<64xf32>
    %get3A_299 = arith.constant 4 : index
    %get3A_300 = arith.constant 0 : index
    %get3A_301 = vector.load %arg7[%get3A_299, %get3A_300] : memref<16x64xf32, #tpu.memory_space<vmem>>, vector<1x64xf32>
    %get3A_302 = vector.shape_cast %get3A_301 : vector<1x64xf32> to vector<64xf32>
    %add3A_303 = arith.addf %get3A_302, %reduce_sum3A_283 : vector<64xf32>
    %swap3A_304 = arith.constant 4 : index
    %swap3A_305 = arith.constant 0 : index
    %swap3A_306 = vector.load %arg7[%swap3A_304, %swap3A_305] : memref<16x64xf32, #tpu.memory_space<vmem>>, vector<1x64xf32>
    %swap3A_307 = vector.shape_cast %swap3A_306 : vector<1x64xf32> to vector<64xf32>
    %swap3A_308 = vector.shape_cast %add3A_303 : vector<64xf32> to vector<1x64xf32>
    tpu.vector_store %arg7[%swap3A_304, %swap3A_305], %swap3A_308 {strides = array<i32>} : memref<16x64xf32, #tpu.memory_space<vmem>>, vector<1x64xf32>,
    %get3A_309 = arith.constant 4 : index
    %get3A_310 = arith.constant 0 : index
    %get3A_311 = vector.load %arg8[%get3A_309, %get3A_310] : memref<16x64xf32, #tpu.memory_space<vmem>>, vector<1x64xf32>
    %get3A_312 = vector.shape_cast %get3A_311 : vector<1x64xf32> to vector<64xf32>
    %add3A_313 = arith.addf %get3A_312, %reduce_sum3A_298 : vector<64xf32>
    %swap3A_314 = arith.constant 4 : index
    %swap3A_315 = arith.constant 0 : index
    %swap3A_316 = vector.load %arg8[%swap3A_314, %swap3A_315] : memref<16x64xf32, #tpu.memory_space<vmem>>, vector<1x64xf32>
    %swap3A_317 = vector.shape_cast %swap3A_316 : vector<1x64xf32> to vector<64xf32>
    %swap3A_318 = vector.shape_cast %add3A_313 : vector<64xf32> to vector<1x64xf32>
    tpu.vector_store %arg8[%swap3A_314, %swap3A_315], %swap3A_318 {strides = array<i32>} : memref<16x64xf32, #tpu.memory_space<vmem>>, vector<1x64xf32>,
    %get3A_319 = arith.constant 0 : index
    %get3A_320 = arith.constant 640 : index
    %get3A_321 = vector.load %arg1[%get3A_319, %get3A_320] : memref<1024x2048xf32, #tpu.memory_space<vmem>>, vector<1024x128xf32>
    %get3A_322 = arith.constant 5 : index
    %get3A_323 = arith.constant 0 : index
    %get3A_324 = arith.constant 0 : index
    %get3A_325 = vector.load %arg2[%get3A_322, %get3A_323, %get3A_324] : memref<16x128x64xf32, #tpu.memory_space<vmem>>, vector<1x128x64xf32>
    %get3A_326 = vector.shape_cast %get3A_325 : vector<1x128x64xf32> to vector<128x64xf32>
    %dot_general3A_327 = arith.constant dense<0.000000e+00> : vector<1024x64xf32>
    %dot_general3A_328 = tpu.matmul %get3A_321, %get3A_326, %dot_general3A_327 {dimension_numbers = #tpu.dot_dimension_numbers<[1], [0], [0], [1], [0, 0, 1, 1], [], []>, transpose_lhs_hint = false} : vector<1024x128xf32>, vector<128x64xf32>, vector<1024x64xf32> -> vector<1024x64xf32>
    %get3A_329 = arith.constant 5 : index
    %get3A_330 = arith.constant 0 : index
    %get3A_331 = vector.load %arg3[%get3A_329, %get3A_330] : memref<16x64xf32, #tpu.memory_space<vmem>>, vector<1x64xf32>
    %get3A_332 = vector.shape_cast %get3A_331 : vector<1x64xf32> to vector<64xf32>
    %broadcast_in_dim3A_333 = vector.shape_cast %get3A_332 : vector<64xf32> to vector<1x64xf32>
    %add3A_334 = vector.broadcast %broadcast_in_dim3A_333 : vector<1x64xf32> to vector<1024x64xf32>
    %add3A_335 = arith.addf %dot_general3A_328, %add3A_334 : vector<1024x64xf32>
    %reduce_max3A_336 = arith.constant dense<0xFF800000> : vector<1024xf32>
    %reduce_max3A_337 = vector.multi_reduction <maximumf>, %add3A_335, %reduce_max3A_336 [1] : vector<1024x64xf32> to vector<1024xf32>
    %broadcast_in_dim3A_338 = vector.shape_cast %reduce_max3A_337 : vector<1024xf32> to vector<1024x1xf32>
    %sub3A_339 = vector.broadcast %broadcast_in_dim3A_338 : vector<1024x1xf32> to vector<1024x64xf32>
    %sub3A_340 = arith.subf %add3A_335, %sub3A_339 : vector<1024x64xf32>
    %exp3A_341 = math.exp %sub3A_340 : vector<1024x64xf32>
    %reduce_sum3A_342 = arith.constant dense<0.000000e+00> : vector<1024xf32>
    %reduce_sum3A_343 = vector.multi_reduction <add>, %exp3A_341, %reduce_sum3A_342 [1] : vector<1024x64xf32> to vector<1024xf32>
    %broadcast_in_dim3A_344 = vector.shape_cast %reduce_sum3A_343 : vector<1024xf32> to vector<1024x1xf32>
    %div3A_345 = vector.broadcast %broadcast_in_dim3A_344 : vector<1024x1xf32> to vector<1024x64xf32>
    %div3A_346 = arith.divf %exp3A_341, %div3A_345 : vector<1024x64xf32>
    %reduce_sum3A_347 = arith.constant dense<0.000000e+00> : vector<64xf32>
    %reduce_sum3A_348 = vector.multi_reduction <add>, %div3A_346, %reduce_sum3A_347 [0] : vector<1024x64xf32> to vector<64xf32>
    %eq3A_349 = vector.broadcast %broadcast_in_dim3A_338 : vector<1024x1xf32> to vector<1024x64xf32>
    %eq3A_350 = arith.cmpf oeq, %add3A_335, %eq3A_349 : vector<1024x64xf32>
    %jit3A_351 = arith.constant 64 : i32
    %broadcast_in_dim3A_352 = vector.broadcast %jit3A_351 : i32 to vector<1024x64xi32>
    %select_n3A_353 = arith.select %eq3A_350, %iota3A, %broadcast_in_dim3A_352 : vector<1024x64xi1>, vector<1024x64xi32>
    %reduce_min3A_354 = arith.constant dense<2147483647> : vector<1024xi32>
    %reduce_min3A_355 = vector.multi_reduction <minsi>, %select_n3A_353, %reduce_min3A_354 [1] : vector<1024x64xi32> to vector<1024xi32>
    %broadcast_in_dim3A_356 = vector.shape_cast %reduce_min3A_355 : vector<1024xi32> to vector<1024x1xi32>
    %broadcast_in_dim3A_357 = vector.shape_cast %reduce_min3A_355 : vector<1024xi32> to vector<1024x1xi32>
    %eq3A_358 = vector.broadcast %broadcast_in_dim3A_357 : vector<1024x1xi32> to vector<1024x64xi32>
    %eq3A_359 = arith.cmpi eq, %iota3A, %eq3A_358 : vector<1024x64xi32>
    %convert_element_type3A_360 = arith.extui %eq3A_359 : vector<1024x64xi1> to vector<1024x64xi32>
    %convert_element_type3A_361 = arith.sitofp %convert_element_type3A_360 : vector<1024x64xi32> to vector<1024x64xf32>
    %reduce_sum3A_362 = arith.constant dense<0.000000e+00> : vector<64xf32>
    %reduce_sum3A_363 = vector.multi_reduction <add>, %convert_element_type3A_361, %reduce_sum3A_362 [0] : vector<1024x64xf32> to vector<64xf32>
    %get3A_364 = arith.constant 5 : index
    %get3A_365 = arith.constant 0 : index
    %get3A_366 = vector.load %arg7[%get3A_364, %get3A_365] : memref<16x64xf32, #tpu.memory_space<vmem>>, vector<1x64xf32>
    %get3A_367 = vector.shape_cast %get3A_366 : vector<1x64xf32> to vector<64xf32>
    %add3A_368 = arith.addf %get3A_367, %reduce_sum3A_348 : vector<64xf32>
    %swap3A_369 = arith.constant 5 : index
    %swap3A_370 = arith.constant 0 : index
    %swap3A_371 = vector.load %arg7[%swap3A_369, %swap3A_370] : memref<16x64xf32, #tpu.memory_space<vmem>>, vector<1x64xf32>
    %swap3A_372 = vector.shape_cast %swap3A_371 : vector<1x64xf32> to vector<64xf32>
    %swap3A_373 = vector.shape_cast %add3A_368 : vector<64xf32> to vector<1x64xf32>
    tpu.vector_store %arg7[%swap3A_369, %swap3A_370], %swap3A_373 {strides = array<i32>} : memref<16x64xf32, #tpu.memory_space<vmem>>, vector<1x64xf32>,
    %get3A_374 = arith.constant 5 : index
    %get3A_375 = arith.constant 0 : index
    %get3A_376 = vector.load %arg8[%get3A_374, %get3A_375] : memref<16x64xf32, #tpu.memory_space<vmem>>, vector<1x64xf32>
    %get3A_377 = vector.shape_cast %get3A_376 : vector<1x64xf32> to vector<64xf32>
    %add3A_378 = arith.addf %get3A_377, %reduce_sum3A_363 : vector<64xf32>
    %swap3A_379 = arith.constant 5 : index
    %swap3A_380 = arith.constant 0 : index
    %swap3A_381 = vector.load %arg8[%swap3A_379, %swap3A_380] : memref<16x64xf32, #tpu.memory_space<vmem>>, vector<1x64xf32>
    %swap3A_382 = vector.shape_cast %swap3A_381 : vector<1x64xf32> to vector<64xf32>
    %swap3A_383 = vector.shape_cast %add3A_378 : vector<64xf32> to vector<1x64xf32>
    tpu.vector_store %arg8[%swap3A_379, %swap3A_380], %swap3A_383 {strides = array<i32>} : memref<16x64xf32, #tpu.memory_space<vmem>>, vector<1x64xf32>,
    %get3A_384 = arith.constant 0 : index
    %get3A_385 = arith.constant 768 : index
    %get3A_386 = vector.load %arg1[%get3A_384, %get3A_385] : memref<1024x2048xf32, #tpu.memory_space<vmem>>, vector<1024x128xf32>
    %get3A_387 = arith.constant 6 : index
    %get3A_388 = arith.constant 0 : index
    %get3A_389 = arith.constant 0 : index
    %get3A_390 = vector.load %arg2[%get3A_387, %get3A_388, %get3A_389] : memref<16x128x64xf32, #tpu.memory_space<vmem>>, vector<1x128x64xf32>
    %get3A_391 = vector.shape_cast %get3A_390 : vector<1x128x64xf32> to vector<128x64xf32>
    %dot_general3A_392 = arith.constant dense<0.000000e+00> : vector<1024x64xf32>
    %dot_general3A_393 = tpu.matmul %get3A_386, %get3A_391, %dot_general3A_392 {dimension_numbers = #tpu.dot_dimension_numbers<[1], [0], [0], [1], [0, 0, 1, 1], [], []>, transpose_lhs_hint = false} : vector<1024x128xf32>, vector<128x64xf32>, vector<1024x64xf32> -> vector<1024x64xf32>
    %get3A_394 = arith.constant 6 : index
    %get3A_395 = arith.constant 0 : index
    %get3A_396 = vector.load %arg3[%get3A_394, %get3A_395] : memref<16x64xf32, #tpu.memory_space<vmem>>, vector<1x64xf32>
    %get3A_397 = vector.shape_cast %get3A_396 : vector<1x64xf32> to vector<64xf32>
    %broadcast_in_dim3A_398 = vector.shape_cast %get3A_397 : vector<64xf32> to vector<1x64xf32>
    %add3A_399 = vector.broadcast %broadcast_in_dim3A_398 : vector<1x64xf32> to vector<1024x64xf32>
    %add3A_400 = arith.addf %dot_general3A_393, %add3A_399 : vector<1024x64xf32>
    %reduce_max3A_401 = arith.constant dense<0xFF800000> : vector<1024xf32>
    %reduce_max3A_402 = vector.multi_reduction <maximumf>, %add3A_400, %reduce_max3A_401 [1] : vector<1024x64xf32> to vector<1024xf32>
    %broadcast_in_dim3A_403 = vector.shape_cast %reduce_max3A_402 : vector<1024xf32> to vector<1024x1xf32>
    %sub3A_404 = vector.broadcast %broadcast_in_dim3A_403 : vector<1024x1xf32> to vector<1024x64xf32>
    %sub3A_405 = arith.subf %add3A_400, %sub3A_404 : vector<1024x64xf32>
    %exp3A_406 = math.exp %sub3A_405 : vector<1024x64xf32>
    %reduce_sum3A_407 = arith.constant dense<0.000000e+00> : vector<1024xf32>
    %reduce_sum3A_408 = vector.multi_reduction <add>, %exp3A_406, %reduce_sum3A_407 [1] : vector<1024x64xf32> to vector<1024xf32>
    %broadcast_in_dim3A_409 = vector.shape_cast %reduce_sum3A_408 : vector<1024xf32> to vector<1024x1xf32>
    %div3A_410 = vector.broadcast %broadcast_in_dim3A_409 : vector<1024x1xf32> to vector<1024x64xf32>
    %div3A_411 = arith.divf %exp3A_406, %div3A_410 : vector<1024x64xf32>
    %reduce_sum3A_412 = arith.constant dense<0.000000e+00> : vector<64xf32>
    %reduce_sum3A_413 = vector.multi_reduction <add>, %div3A_411, %reduce_sum3A_412 [0] : vector<1024x64xf32> to vector<64xf32>
    %eq3A_414 = vector.broadcast %broadcast_in_dim3A_403 : vector<1024x1xf32> to vector<1024x64xf32>
    %eq3A_415 = arith.cmpf oeq, %add3A_400, %eq3A_414 : vector<1024x64xf32>
    %jit3A_416 = arith.constant 64 : i32
    %broadcast_in_dim3A_417 = vector.broadcast %jit3A_416 : i32 to vector<1024x64xi32>
    %select_n3A_418 = arith.select %eq3A_415, %iota3A, %broadcast_in_dim3A_417 : vector<1024x64xi1>, vector<1024x64xi32>
    %reduce_min3A_419 = arith.constant dense<2147483647> : vector<1024xi32>
    %reduce_min3A_420 = vector.multi_reduction <minsi>, %select_n3A_418, %reduce_min3A_419 [1] : vector<1024x64xi32> to vector<1024xi32>
    %broadcast_in_dim3A_421 = vector.shape_cast %reduce_min3A_420 : vector<1024xi32> to vector<1024x1xi32>
    %broadcast_in_dim3A_422 = vector.shape_cast %reduce_min3A_420 : vector<1024xi32> to vector<1024x1xi32>
    %eq3A_423 = vector.broadcast %broadcast_in_dim3A_422 : vector<1024x1xi32> to vector<1024x64xi32>
    %eq3A_424 = arith.cmpi eq, %iota3A, %eq3A_423 : vector<1024x64xi32>
    %convert_element_type3A_425 = arith.extui %eq3A_424 : vector<1024x64xi1> to vector<1024x64xi32>
    %convert_element_type3A_426 = arith.sitofp %convert_element_type3A_425 : vector<1024x64xi32> to vector<1024x64xf32>
    %reduce_sum3A_427 = arith.constant dense<0.000000e+00> : vector<64xf32>
    %reduce_sum3A_428 = vector.multi_reduction <add>, %convert_element_type3A_426, %reduce_sum3A_427 [0] : vector<1024x64xf32> to vector<64xf32>
    %get3A_429 = arith.constant 6 : index
    %get3A_430 = arith.constant 0 : index
    %get3A_431 = vector.load %arg7[%get3A_429, %get3A_430] : memref<16x64xf32, #tpu.memory_space<vmem>>, vector<1x64xf32>
    %get3A_432 = vector.shape_cast %get3A_431 : vector<1x64xf32> to vector<64xf32>
    %add3A_433 = arith.addf %get3A_432, %reduce_sum3A_413 : vector<64xf32>
    %swap3A_434 = arith.constant 6 : index
    %swap3A_435 = arith.constant 0 : index
    %swap3A_436 = vector.load %arg7[%swap3A_434, %swap3A_435] : memref<16x64xf32, #tpu.memory_space<vmem>>, vector<1x64xf32>
    %swap3A_437 = vector.shape_cast %swap3A_436 : vector<1x64xf32> to vector<64xf32>
    %swap3A_438 = vector.shape_cast %add3A_433 : vector<64xf32> to vector<1x64xf32>
    tpu.vector_store %arg7[%swap3A_434, %swap3A_435], %swap3A_438 {strides = array<i32>} : memref<16x64xf32, #tpu.memory_space<vmem>>, vector<1x64xf32>,
    %get3A_439 = arith.constant 6 : index
    %get3A_440 = arith.constant 0 : index
    %get3A_441 = vector.load %arg8[%get3A_439, %get3A_440] : memref<16x64xf32, #tpu.memory_space<vmem>>, vector<1x64xf32>
    %get3A_442 = vector.shape_cast %get3A_441 : vector<1x64xf32> to vector<64xf32>
    %add3A_443 = arith.addf %get3A_442, %reduce_sum3A_428 : vector<64xf32>
    %swap3A_444 = arith.constant 6 : index
    %swap3A_445 = arith.constant 0 : index
    %swap3A_446 = vector.load %arg8[%swap3A_444, %swap3A_445] : memref<16x64xf32, #tpu.memory_space<vmem>>, vector<1x64xf32>
    %swap3A_447 = vector.shape_cast %swap3A_446 : vector<1x64xf32> to vector<64xf32>
    %swap3A_448 = vector.shape_cast %add3A_443 : vector<64xf32> to vector<1x64xf32>
    tpu.vector_store %arg8[%swap3A_444, %swap3A_445], %swap3A_448 {strides = array<i32>} : memref<16x64xf32, #tpu.memory_space<vmem>>, vector<1x64xf32>,
    %get3A_449 = arith.constant 0 : index
    %get3A_450 = arith.constant 896 : index
    %get3A_451 = vector.load %arg1[%get3A_449, %get3A_450] : memref<1024x2048xf32, #tpu.memory_space<vmem>>, vector<1024x128xf32>
    %get3A_452 = arith.constant 7 : index
    %get3A_453 = arith.constant 0 : index
    %get3A_454 = arith.constant 0 : index
    %get3A_455 = vector.load %arg2[%get3A_452, %get3A_453, %get3A_454] : memref<16x128x64xf32, #tpu.memory_space<vmem>>, vector<1x128x64xf32>
    %get3A_456 = vector.shape_cast %get3A_455 : vector<1x128x64xf32> to vector<128x64xf32>
    %dot_general3A_457 = arith.constant dense<0.000000e+00> : vector<1024x64xf32>
    %dot_general3A_458 = tpu.matmul %get3A_451, %get3A_456, %dot_general3A_457 {dimension_numbers = #tpu.dot_dimension_numbers<[1], [0], [0], [1], [0, 0, 1, 1], [], []>, transpose_lhs_hint = false} : vector<1024x128xf32>, vector<128x64xf32>, vector<1024x64xf32> -> vector<1024x64xf32>
    %get3A_459 = arith.constant 7 : index
    %get3A_460 = arith.constant 0 : index
    %get3A_461 = vector.load %arg3[%get3A_459, %get3A_460] : memref<16x64xf32, #tpu.memory_space<vmem>>, vector<1x64xf32>
    %get3A_462 = vector.shape_cast %get3A_461 : vector<1x64xf32> to vector<64xf32>
    %broadcast_in_dim3A_463 = vector.shape_cast %get3A_462 : vector<64xf32> to vector<1x64xf32>
    %add3A_464 = vector.broadcast %broadcast_in_dim3A_463 : vector<1x64xf32> to vector<1024x64xf32>
    %add3A_465 = arith.addf %dot_general3A_458, %add3A_464 : vector<1024x64xf32>
    %reduce_max3A_466 = arith.constant dense<0xFF800000> : vector<1024xf32>
    %reduce_max3A_467 = vector.multi_reduction <maximumf>, %add3A_465, %reduce_max3A_466 [1] : vector<1024x64xf32> to vector<1024xf32>
    %broadcast_in_dim3A_468 = vector.shape_cast %reduce_max3A_467 : vector<1024xf32> to vector<1024x1xf32>
    %sub3A_469 = vector.broadcast %broadcast_in_dim3A_468 : vector<1024x1xf32> to vector<1024x64xf32>
    %sub3A_470 = arith.subf %add3A_465, %sub3A_469 : vector<1024x64xf32>
    %exp3A_471 = math.exp %sub3A_470 : vector<1024x64xf32>
    %reduce_sum3A_472 = arith.constant dense<0.000000e+00> : vector<1024xf32>
    %reduce_sum3A_473 = vector.multi_reduction <add>, %exp3A_471, %reduce_sum3A_472 [1] : vector<1024x64xf32> to vector<1024xf32>
    %broadcast_in_dim3A_474 = vector.shape_cast %reduce_sum3A_473 : vector<1024xf32> to vector<1024x1xf32>
    %div3A_475 = vector.broadcast %broadcast_in_dim3A_474 : vector<1024x1xf32> to vector<1024x64xf32>
    %div3A_476 = arith.divf %exp3A_471, %div3A_475 : vector<1024x64xf32>
    %reduce_sum3A_477 = arith.constant dense<0.000000e+00> : vector<64xf32>
    %reduce_sum3A_478 = vector.multi_reduction <add>, %div3A_476, %reduce_sum3A_477 [0] : vector<1024x64xf32> to vector<64xf32>
    %eq3A_479 = vector.broadcast %broadcast_in_dim3A_468 : vector<1024x1xf32> to vector<1024x64xf32>
    %eq3A_480 = arith.cmpf oeq, %add3A_465, %eq3A_479 : vector<1024x64xf32>
    %jit3A_481 = arith.constant 64 : i32
    %broadcast_in_dim3A_482 = vector.broadcast %jit3A_481 : i32 to vector<1024x64xi32>
    %select_n3A_483 = arith.select %eq3A_480, %iota3A, %broadcast_in_dim3A_482 : vector<1024x64xi1>, vector<1024x64xi32>
    %reduce_min3A_484 = arith.constant dense<2147483647> : vector<1024xi32>
    %reduce_min3A_485 = vector.multi_reduction <minsi>, %select_n3A_483, %reduce_min3A_484 [1] : vector<1024x64xi32> to vector<1024xi32>
    %broadcast_in_dim3A_486 = vector.shape_cast %reduce_min3A_485 : vector<1024xi32> to vector<1024x1xi32>
    %broadcast_in_dim3A_487 = vector.shape_cast %reduce_min3A_485 : vector<1024xi32> to vector<1024x1xi32>
    %eq3A_488 = vector.broadcast %broadcast_in_dim3A_487 : vector<1024x1xi32> to vector<1024x64xi32>
    %eq3A_489 = arith.cmpi eq, %iota3A, %eq3A_488 : vector<1024x64xi32>
    %convert_element_type3A_490 = arith.extui %eq3A_489 : vector<1024x64xi1> to vector<1024x64xi32>
    %convert_element_type3A_491 = arith.sitofp %convert_element_type3A_490 : vector<1024x64xi32> to vector<1024x64xf32>
    %reduce_sum3A_492 = arith.constant dense<0.000000e+00> : vector<64xf32>
    %reduce_sum3A_493 = vector.multi_reduction <add>, %convert_element_type3A_491, %reduce_sum3A_492 [0] : vector<1024x64xf32> to vector<64xf32>
    %get3A_494 = arith.constant 7 : index
    %get3A_495 = arith.constant 0 : index
    %get3A_496 = vector.load %arg7[%get3A_494, %get3A_495] : memref<16x64xf32, #tpu.memory_space<vmem>>, vector<1x64xf32>
    %get3A_497 = vector.shape_cast %get3A_496 : vector<1x64xf32> to vector<64xf32>
    %add3A_498 = arith.addf %get3A_497, %reduce_sum3A_478 : vector<64xf32>
    %swap3A_499 = arith.constant 7 : index
    %swap3A_500 = arith.constant 0 : index
    %swap3A_501 = vector.load %arg7[%swap3A_499, %swap3A_500] : memref<16x64xf32, #tpu.memory_space<vmem>>, vector<1x64xf32>
    %swap3A_502 = vector.shape_cast %swap3A_501 : vector<1x64xf32> to vector<64xf32>
    %swap3A_503 = vector.shape_cast %add3A_498 : vector<64xf32> to vector<1x64xf32>
    tpu.vector_store %arg7[%swap3A_499, %swap3A_500], %swap3A_503 {strides = array<i32>} : memref<16x64xf32, #tpu.memory_space<vmem>>, vector<1x64xf32>,
    %get3A_504 = arith.constant 7 : index
    %get3A_505 = arith.constant 0 : index
    %get3A_506 = vector.load %arg8[%get3A_504, %get3A_505] : memref<16x64xf32, #tpu.memory_space<vmem>>, vector<1x64xf32>
    %get3A_507 = vector.shape_cast %get3A_506 : vector<1x64xf32> to vector<64xf32>
    %add3A_508 = arith.addf %get3A_507, %reduce_sum3A_493 : vector<64xf32>
    %swap3A_509 = arith.constant 7 : index
    %swap3A_510 = arith.constant 0 : index
    %swap3A_511 = vector.load %arg8[%swap3A_509, %swap3A_510] : memref<16x64xf32, #tpu.memory_space<vmem>>, vector<1x64xf32>
    %swap3A_512 = vector.shape_cast %swap3A_511 : vector<1x64xf32> to vector<64xf32>
    %swap3A_513 = vector.shape_cast %add3A_508 : vector<64xf32> to vector<1x64xf32>
    tpu.vector_store %arg8[%swap3A_509, %swap3A_510], %swap3A_513 {strides = array<i32>} : memref<16x64xf32, #tpu.memory_space<vmem>>, vector<1x64xf32>,
    %get3A_514 = arith.constant 0 : index
    %get3A_515 = arith.constant 1024 : index
    %get3A_516 = vector.load %arg1[%get3A_514, %get3A_515] : memref<1024x2048xf32, #tpu.memory_space<vmem>>, vector<1024x128xf32>
    %get3A_517 = arith.constant 8 : index
    %get3A_518 = arith.constant 0 : index
    %get3A_519 = arith.constant 0 : index
    %get3A_520 = vector.load %arg2[%get3A_517, %get3A_518, %get3A_519] : memref<16x128x64xf32, #tpu.memory_space<vmem>>, vector<1x128x64xf32>
    %get3A_521 = vector.shape_cast %get3A_520 : vector<1x128x64xf32> to vector<128x64xf32>
    %dot_general3A_522 = arith.constant dense<0.000000e+00> : vector<1024x64xf32>
    %dot_general3A_523 = tpu.matmul %get3A_516, %get3A_521, %dot_general3A_522 {dimension_numbers = #tpu.dot_dimension_numbers<[1], [0], [0], [1], [0, 0, 1, 1], [], []>, transpose_lhs_hint = false} : vector<1024x128xf32>, vector<128x64xf32>, vector<1024x64xf32> -> vector<1024x64xf32>
    %get3A_524 = arith.constant 8 : index
    %get3A_525 = arith.constant 0 : index
    %get3A_526 = vector.load %arg3[%get3A_524, %get3A_525] : memref<16x64xf32, #tpu.memory_space<vmem>>, vector<1x64xf32>
    %get3A_527 = vector.shape_cast %get3A_526 : vector<1x64xf32> to vector<64xf32>
    %broadcast_in_dim3A_528 = vector.shape_cast %get3A_527 : vector<64xf32> to vector<1x64xf32>
    %add3A_529 = vector.broadcast %broadcast_in_dim3A_528 : vector<1x64xf32> to vector<1024x64xf32>
    %add3A_530 = arith.addf %dot_general3A_523, %add3A_529 : vector<1024x64xf32>
    %reduce_max3A_531 = arith.constant dense<0xFF800000> : vector<1024xf32>
    %reduce_max3A_532 = vector.multi_reduction <maximumf>, %add3A_530, %reduce_max3A_531 [1] : vector<1024x64xf32> to vector<1024xf32>
    %broadcast_in_dim3A_533 = vector.shape_cast %reduce_max3A_532 : vector<1024xf32> to vector<1024x1xf32>
    %sub3A_534 = vector.broadcast %broadcast_in_dim3A_533 : vector<1024x1xf32> to vector<1024x64xf32>
    %sub3A_535 = arith.subf %add3A_530, %sub3A_534 : vector<1024x64xf32>
    %exp3A_536 = math.exp %sub3A_535 : vector<1024x64xf32>
    %reduce_sum3A_537 = arith.constant dense<0.000000e+00> : vector<1024xf32>
    %reduce_sum3A_538 = vector.multi_reduction <add>, %exp3A_536, %reduce_sum3A_537 [1] : vector<1024x64xf32> to vector<1024xf32>
    %broadcast_in_dim3A_539 = vector.shape_cast %reduce_sum3A_538 : vector<1024xf32> to vector<1024x1xf32>
    %div3A_540 = vector.broadcast %broadcast_in_dim3A_539 : vector<1024x1xf32> to vector<1024x64xf32>
    %div3A_541 = arith.divf %exp3A_536, %div3A_540 : vector<1024x64xf32>
    %reduce_sum3A_542 = arith.constant dense<0.000000e+00> : vector<64xf32>
    %reduce_sum3A_543 = vector.multi_reduction <add>, %div3A_541, %reduce_sum3A_542 [0] : vector<1024x64xf32> to vector<64xf32>
    %eq3A_544 = vector.broadcast %broadcast_in_dim3A_533 : vector<1024x1xf32> to vector<1024x64xf32>
    %eq3A_545 = arith.cmpf oeq, %add3A_530, %eq3A_544 : vector<1024x64xf32>
    %jit3A_546 = arith.constant 64 : i32
    %broadcast_in_dim3A_547 = vector.broadcast %jit3A_546 : i32 to vector<1024x64xi32>
    %select_n3A_548 = arith.select %eq3A_545, %iota3A, %broadcast_in_dim3A_547 : vector<1024x64xi1>, vector<1024x64xi32>
    %reduce_min3A_549 = arith.constant dense<2147483647> : vector<1024xi32>
    %reduce_min3A_550 = vector.multi_reduction <minsi>, %select_n3A_548, %reduce_min3A_549 [1] : vector<1024x64xi32> to vector<1024xi32>
    %broadcast_in_dim3A_551 = vector.shape_cast %reduce_min3A_550 : vector<1024xi32> to vector<1024x1xi32>
    %broadcast_in_dim3A_552 = vector.shape_cast %reduce_min3A_550 : vector<1024xi32> to vector<1024x1xi32>
    %eq3A_553 = vector.broadcast %broadcast_in_dim3A_552 : vector<1024x1xi32> to vector<1024x64xi32>
    %eq3A_554 = arith.cmpi eq, %iota3A, %eq3A_553 : vector<1024x64xi32>
    %convert_element_type3A_555 = arith.extui %eq3A_554 : vector<1024x64xi1> to vector<1024x64xi32>
    %convert_element_type3A_556 = arith.sitofp %convert_element_type3A_555 : vector<1024x64xi32> to vector<1024x64xf32>
    %reduce_sum3A_557 = arith.constant dense<0.000000e+00> : vector<64xf32>
    %reduce_sum3A_558 = vector.multi_reduction <add>, %convert_element_type3A_556, %reduce_sum3A_557 [0] : vector<1024x64xf32> to vector<64xf32>
    %get3A_559 = arith.constant 8 : index
    %get3A_560 = arith.constant 0 : index
    %get3A_561 = vector.load %arg7[%get3A_559, %get3A_560] : memref<16x64xf32, #tpu.memory_space<vmem>>, vector<1x64xf32>
    %get3A_562 = vector.shape_cast %get3A_561 : vector<1x64xf32> to vector<64xf32>
    %add3A_563 = arith.addf %get3A_562, %reduce_sum3A_543 : vector<64xf32>
    %swap3A_564 = arith.constant 8 : index
    %swap3A_565 = arith.constant 0 : index
    %swap3A_566 = vector.load %arg7[%swap3A_564, %swap3A_565] : memref<16x64xf32, #tpu.memory_space<vmem>>, vector<1x64xf32>
    %swap3A_567 = vector.shape_cast %swap3A_566 : vector<1x64xf32> to vector<64xf32>
    %swap3A_568 = vector.shape_cast %add3A_563 : vector<64xf32> to vector<1x64xf32>
    tpu.vector_store %arg7[%swap3A_564, %swap3A_565], %swap3A_568 {strides = array<i32>} : memref<16x64xf32, #tpu.memory_space<vmem>>, vector<1x64xf32>,
    %get3A_569 = arith.constant 8 : index
    %get3A_570 = arith.constant 0 : index
    %get3A_571 = vector.load %arg8[%get3A_569, %get3A_570] : memref<16x64xf32, #tpu.memory_space<vmem>>, vector<1x64xf32>
    %get3A_572 = vector.shape_cast %get3A_571 : vector<1x64xf32> to vector<64xf32>
    %add3A_573 = arith.addf %get3A_572, %reduce_sum3A_558 : vector<64xf32>
    %swap3A_574 = arith.constant 8 : index
    %swap3A_575 = arith.constant 0 : index
    %swap3A_576 = vector.load %arg8[%swap3A_574, %swap3A_575] : memref<16x64xf32, #tpu.memory_space<vmem>>, vector<1x64xf32>
    %swap3A_577 = vector.shape_cast %swap3A_576 : vector<1x64xf32> to vector<64xf32>
    %swap3A_578 = vector.shape_cast %add3A_573 : vector<64xf32> to vector<1x64xf32>
    tpu.vector_store %arg8[%swap3A_574, %swap3A_575], %swap3A_578 {strides = array<i32>} : memref<16x64xf32, #tpu.memory_space<vmem>>, vector<1x64xf32>,
    %get3A_579 = arith.constant 0 : index
    %get3A_580 = arith.constant 1152 : index
    %get3A_581 = vector.load %arg1[%get3A_579, %get3A_580] : memref<1024x2048xf32, #tpu.memory_space<vmem>>, vector<1024x128xf32>
    %get3A_582 = arith.constant 9 : index
    %get3A_583 = arith.constant 0 : index
    %get3A_584 = arith.constant 0 : index
    %get3A_585 = vector.load %arg2[%get3A_582, %get3A_583, %get3A_584] : memref<16x128x64xf32, #tpu.memory_space<vmem>>, vector<1x128x64xf32>
    %get3A_586 = vector.shape_cast %get3A_585 : vector<1x128x64xf32> to vector<128x64xf32>
    %dot_general3A_587 = arith.constant dense<0.000000e+00> : vector<1024x64xf32>
    %dot_general3A_588 = tpu.matmul %get3A_581, %get3A_586, %dot_general3A_587 {dimension_numbers = #tpu.dot_dimension_numbers<[1], [0], [0], [1], [0, 0, 1, 1], [], []>, transpose_lhs_hint = false} : vector<1024x128xf32>, vector<128x64xf32>, vector<1024x64xf32> -> vector<1024x64xf32>
    %get3A_589 = arith.constant 9 : index
    %get3A_590 = arith.constant 0 : index
    %get3A_591 = vector.load %arg3[%get3A_589, %get3A_590] : memref<16x64xf32, #tpu.memory_space<vmem>>, vector<1x64xf32>
    %get3A_592 = vector.shape_cast %get3A_591 : vector<1x64xf32> to vector<64xf32>
    %broadcast_in_dim3A_593 = vector.shape_cast %get3A_592 : vector<64xf32> to vector<1x64xf32>
    %add3A_594 = vector.broadcast %broadcast_in_dim3A_593 : vector<1x64xf32> to vector<1024x64xf32>
    %add3A_595 = arith.addf %dot_general3A_588, %add3A_594 : vector<1024x64xf32>
    %reduce_max3A_596 = arith.constant dense<0xFF800000> : vector<1024xf32>
    %reduce_max3A_597 = vector.multi_reduction <maximumf>, %add3A_595, %reduce_max3A_596 [1] : vector<1024x64xf32> to vector<1024xf32>
    %broadcast_in_dim3A_598 = vector.shape_cast %reduce_max3A_597 : vector<1024xf32> to vector<1024x1xf32>
    %sub3A_599 = vector.broadcast %broadcast_in_dim3A_598 : vector<1024x1xf32> to vector<1024x64xf32>
    %sub3A_600 = arith.subf %add3A_595, %sub3A_599 : vector<1024x64xf32>
    %exp3A_601 = math.exp %sub3A_600 : vector<1024x64xf32>
    %reduce_sum3A_602 = arith.constant dense<0.000000e+00> : vector<1024xf32>
    %reduce_sum3A_603 = vector.multi_reduction <add>, %exp3A_601, %reduce_sum3A_602 [1] : vector<1024x64xf32> to vector<1024xf32>
    %broadcast_in_dim3A_604 = vector.shape_cast %reduce_sum3A_603 : vector<1024xf32> to vector<1024x1xf32>
    %div3A_605 = vector.broadcast %broadcast_in_dim3A_604 : vector<1024x1xf32> to vector<1024x64xf32>
    %div3A_606 = arith.divf %exp3A_601, %div3A_605 : vector<1024x64xf32>
    %reduce_sum3A_607 = arith.constant dense<0.000000e+00> : vector<64xf32>
    %reduce_sum3A_608 = vector.multi_reduction <add>, %div3A_606, %reduce_sum3A_607 [0] : vector<1024x64xf32> to vector<64xf32>
    %eq3A_609 = vector.broadcast %broadcast_in_dim3A_598 : vector<1024x1xf32> to vector<1024x64xf32>
    %eq3A_610 = arith.cmpf oeq, %add3A_595, %eq3A_609 : vector<1024x64xf32>
    %jit3A_611 = arith.constant 64 : i32
    %broadcast_in_dim3A_612 = vector.broadcast %jit3A_611 : i32 to vector<1024x64xi32>
    %select_n3A_613 = arith.select %eq3A_610, %iota3A, %broadcast_in_dim3A_612 : vector<1024x64xi1>, vector<1024x64xi32>
    %reduce_min3A_614 = arith.constant dense<2147483647> : vector<1024xi32>
    %reduce_min3A_615 = vector.multi_reduction <minsi>, %select_n3A_613, %reduce_min3A_614 [1] : vector<1024x64xi32> to vector<1024xi32>
    %broadcast_in_dim3A_616 = vector.shape_cast %reduce_min3A_615 : vector<1024xi32> to vector<1024x1xi32>
    %broadcast_in_dim3A_617 = vector.shape_cast %reduce_min3A_615 : vector<1024xi32> to vector<1024x1xi32>
    %eq3A_618 = vector.broadcast %broadcast_in_dim3A_617 : vector<1024x1xi32> to vector<1024x64xi32>
    %eq3A_619 = arith.cmpi eq, %iota3A, %eq3A_618 : vector<1024x64xi32>
    %convert_element_type3A_620 = arith.extui %eq3A_619 : vector<1024x64xi1> to vector<1024x64xi32>
    %convert_element_type3A_621 = arith.sitofp %convert_element_type3A_620 : vector<1024x64xi32> to vector<1024x64xf32>
    %reduce_sum3A_622 = arith.constant dense<0.000000e+00> : vector<64xf32>
    %reduce_sum3A_623 = vector.multi_reduction <add>, %convert_element_type3A_621, %reduce_sum3A_622 [0] : vector<1024x64xf32> to vector<64xf32>
    %get3A_624 = arith.constant 9 : index
    %get3A_625 = arith.constant 0 : index
    %get3A_626 = vector.load %arg7[%get3A_624, %get3A_625] : memref<16x64xf32, #tpu.memory_space<vmem>>, vector<1x64xf32>
    %get3A_627 = vector.shape_cast %get3A_626 : vector<1x64xf32> to vector<64xf32>
    %add3A_628 = arith.addf %get3A_627, %reduce_sum3A_608 : vector<64xf32>
    %swap3A_629 = arith.constant 9 : index
    %swap3A_630 = arith.constant 0 : index
    %swap3A_631 = vector.load %arg7[%swap3A_629, %swap3A_630] : memref<16x64xf32, #tpu.memory_space<vmem>>, vector<1x64xf32>
    %swap3A_632 = vector.shape_cast %swap3A_631 : vector<1x64xf32> to vector<64xf32>
    %swap3A_633 = vector.shape_cast %add3A_628 : vector<64xf32> to vector<1x64xf32>
    tpu.vector_store %arg7[%swap3A_629, %swap3A_630], %swap3A_633 {strides = array<i32>} : memref<16x64xf32, #tpu.memory_space<vmem>>, vector<1x64xf32>,
    %get3A_634 = arith.constant 9 : index
    %get3A_635 = arith.constant 0 : index
    %get3A_636 = vector.load %arg8[%get3A_634, %get3A_635] : memref<16x64xf32, #tpu.memory_space<vmem>>, vector<1x64xf32>
    %get3A_637 = vector.shape_cast %get3A_636 : vector<1x64xf32> to vector<64xf32>
    %add3A_638 = arith.addf %get3A_637, %reduce_sum3A_623 : vector<64xf32>
    %swap3A_639 = arith.constant 9 : index
    %swap3A_640 = arith.constant 0 : index
    %swap3A_641 = vector.load %arg8[%swap3A_639, %swap3A_640] : memref<16x64xf32, #tpu.memory_space<vmem>>, vector<1x64xf32>
    %swap3A_642 = vector.shape_cast %swap3A_641 : vector<1x64xf32> to vector<64xf32>
    %swap3A_643 = vector.shape_cast %add3A_638 : vector<64xf32> to vector<1x64xf32>
    tpu.vector_store %arg8[%swap3A_639, %swap3A_640], %swap3A_643 {strides = array<i32>} : memref<16x64xf32, #tpu.memory_space<vmem>>, vector<1x64xf32>,
    %get3A_644 = arith.constant 0 : index
    %get3A_645 = arith.constant 1280 : index
    %get3A_646 = vector.load %arg1[%get3A_644, %get3A_645] : memref<1024x2048xf32, #tpu.memory_space<vmem>>, vector<1024x128xf32>
    %get3A_647 = arith.constant 10 : index
    %get3A_648 = arith.constant 0 : index
    %get3A_649 = arith.constant 0 : index
    %get3A_650 = vector.load %arg2[%get3A_647, %get3A_648, %get3A_649] : memref<16x128x64xf32, #tpu.memory_space<vmem>>, vector<1x128x64xf32>
    %get3A_651 = vector.shape_cast %get3A_650 : vector<1x128x64xf32> to vector<128x64xf32>
    %dot_general3A_652 = arith.constant dense<0.000000e+00> : vector<1024x64xf32>
    %dot_general3A_653 = tpu.matmul %get3A_646, %get3A_651, %dot_general3A_652 {dimension_numbers = #tpu.dot_dimension_numbers<[1], [0], [0], [1], [0, 0, 1, 1], [], []>, transpose_lhs_hint = false} : vector<1024x128xf32>, vector<128x64xf32>, vector<1024x64xf32> -> vector<1024x64xf32>
    %get3A_654 = arith.constant 10 : index
    %get3A_655 = arith.constant 0 : index
    %get3A_656 = vector.load %arg3[%get3A_654, %get3A_655] : memref<16x64xf32, #tpu.memory_space<vmem>>, vector<1x64xf32>
    %get3A_657 = vector.shape_cast %get3A_656 : vector<1x64xf32> to vector<64xf32>
    %broadcast_in_dim3A_658 = vector.shape_cast %get3A_657 : vector<64xf32> to vector<1x64xf32>
    %add3A_659 = vector.broadcast %broadcast_in_dim3A_658 : vector<1x64xf32> to vector<1024x64xf32>
    %add3A_660 = arith.addf %dot_general3A_653, %add3A_659 : vector<1024x64xf32>
    %reduce_max3A_661 = arith.constant dense<0xFF800000> : vector<1024xf32>
    %reduce_max3A_662 = vector.multi_reduction <maximumf>, %add3A_660, %reduce_max3A_661 [1] : vector<1024x64xf32> to vector<1024xf32>
    %broadcast_in_dim3A_663 = vector.shape_cast %reduce_max3A_662 : vector<1024xf32> to vector<1024x1xf32>
    %sub3A_664 = vector.broadcast %broadcast_in_dim3A_663 : vector<1024x1xf32> to vector<1024x64xf32>
    %sub3A_665 = arith.subf %add3A_660, %sub3A_664 : vector<1024x64xf32>
    %exp3A_666 = math.exp %sub3A_665 : vector<1024x64xf32>
    %reduce_sum3A_667 = arith.constant dense<0.000000e+00> : vector<1024xf32>
    %reduce_sum3A_668 = vector.multi_reduction <add>, %exp3A_666, %reduce_sum3A_667 [1] : vector<1024x64xf32> to vector<1024xf32>
    %broadcast_in_dim3A_669 = vector.shape_cast %reduce_sum3A_668 : vector<1024xf32> to vector<1024x1xf32>
    %div3A_670 = vector.broadcast %broadcast_in_dim3A_669 : vector<1024x1xf32> to vector<1024x64xf32>
    %div3A_671 = arith.divf %exp3A_666, %div3A_670 : vector<1024x64xf32>
    %reduce_sum3A_672 = arith.constant dense<0.000000e+00> : vector<64xf32>
    %reduce_sum3A_673 = vector.multi_reduction <add>, %div3A_671, %reduce_sum3A_672 [0] : vector<1024x64xf32> to vector<64xf32>
    %eq3A_674 = vector.broadcast %broadcast_in_dim3A_663 : vector<1024x1xf32> to vector<1024x64xf32>
    %eq3A_675 = arith.cmpf oeq, %add3A_660, %eq3A_674 : vector<1024x64xf32>
    %jit3A_676 = arith.constant 64 : i32
    %broadcast_in_dim3A_677 = vector.broadcast %jit3A_676 : i32 to vector<1024x64xi32>
    %select_n3A_678 = arith.select %eq3A_675, %iota3A, %broadcast_in_dim3A_677 : vector<1024x64xi1>, vector<1024x64xi32>
    %reduce_min3A_679 = arith.constant dense<2147483647> : vector<1024xi32>
    %reduce_min3A_680 = vector.multi_reduction <minsi>, %select_n3A_678, %reduce_min3A_679 [1] : vector<1024x64xi32> to vector<1024xi32>
    %broadcast_in_dim3A_681 = vector.shape_cast %reduce_min3A_680 : vector<1024xi32> to vector<1024x1xi32>
    %broadcast_in_dim3A_682 = vector.shape_cast %reduce_min3A_680 : vector<1024xi32> to vector<1024x1xi32>
    %eq3A_683 = vector.broadcast %broadcast_in_dim3A_682 : vector<1024x1xi32> to vector<1024x64xi32>
    %eq3A_684 = arith.cmpi eq, %iota3A, %eq3A_683 : vector<1024x64xi32>
    %convert_element_type3A_685 = arith.extui %eq3A_684 : vector<1024x64xi1> to vector<1024x64xi32>
    %convert_element_type3A_686 = arith.sitofp %convert_element_type3A_685 : vector<1024x64xi32> to vector<1024x64xf32>
    %reduce_sum3A_687 = arith.constant dense<0.000000e+00> : vector<64xf32>
    %reduce_sum3A_688 = vector.multi_reduction <add>, %convert_element_type3A_686, %reduce_sum3A_687 [0] : vector<1024x64xf32> to vector<64xf32>
    %get3A_689 = arith.constant 10 : index
    %get3A_690 = arith.constant 0 : index
    %get3A_691 = vector.load %arg7[%get3A_689, %get3A_690] : memref<16x64xf32, #tpu.memory_space<vmem>>, vector<1x64xf32>
    %get3A_692 = vector.shape_cast %get3A_691 : vector<1x64xf32> to vector<64xf32>
    %add3A_693 = arith.addf %get3A_692, %reduce_sum3A_673 : vector<64xf32>
    %swap3A_694 = arith.constant 10 : index
    %swap3A_695 = arith.constant 0 : index
    %swap3A_696 = vector.load %arg7[%swap3A_694, %swap3A_695] : memref<16x64xf32, #tpu.memory_space<vmem>>, vector<1x64xf32>
    %swap3A_697 = vector.shape_cast %swap3A_696 : vector<1x64xf32> to vector<64xf32>
    %swap3A_698 = vector.shape_cast %add3A_693 : vector<64xf32> to vector<1x64xf32>
    tpu.vector_store %arg7[%swap3A_694, %swap3A_695], %swap3A_698 {strides = array<i32>} : memref<16x64xf32, #tpu.memory_space<vmem>>, vector<1x64xf32>,
    %get3A_699 = arith.constant 10 : index
    %get3A_700 = arith.constant 0 : index
    %get3A_701 = vector.load %arg8[%get3A_699, %get3A_700] : memref<16x64xf32, #tpu.memory_space<vmem>>, vector<1x64xf32>
    %get3A_702 = vector.shape_cast %get3A_701 : vector<1x64xf32> to vector<64xf32>
    %add3A_703 = arith.addf %get3A_702, %reduce_sum3A_688 : vector<64xf32>
    %swap3A_704 = arith.constant 10 : index
    %swap3A_705 = arith.constant 0 : index
    %swap3A_706 = vector.load %arg8[%swap3A_704, %swap3A_705] : memref<16x64xf32, #tpu.memory_space<vmem>>, vector<1x64xf32>
    %swap3A_707 = vector.shape_cast %swap3A_706 : vector<1x64xf32> to vector<64xf32>
    %swap3A_708 = vector.shape_cast %add3A_703 : vector<64xf32> to vector<1x64xf32>
    tpu.vector_store %arg8[%swap3A_704, %swap3A_705], %swap3A_708 {strides = array<i32>} : memref<16x64xf32, #tpu.memory_space<vmem>>, vector<1x64xf32>,
    %get3A_709 = arith.constant 0 : index
    %get3A_710 = arith.constant 1408 : index
    %get3A_711 = vector.load %arg1[%get3A_709, %get3A_710] : memref<1024x2048xf32, #tpu.memory_space<vmem>>, vector<1024x128xf32>
    %get3A_712 = arith.constant 11 : index
    %get3A_713 = arith.constant 0 : index
    %get3A_714 = arith.constant 0 : index
    %get3A_715 = vector.load %arg2[%get3A_712, %get3A_713, %get3A_714] : memref<16x128x64xf32, #tpu.memory_space<vmem>>, vector<1x128x64xf32>
    %get3A_716 = vector.shape_cast %get3A_715 : vector<1x128x64xf32> to vector<128x64xf32>
    %dot_general3A_717 = arith.constant dense<0.000000e+00> : vector<1024x64xf32>
    %dot_general3A_718 = tpu.matmul %get3A_711, %get3A_716, %dot_general3A_717 {dimension_numbers = #tpu.dot_dimension_numbers<[1], [0], [0], [1], [0, 0, 1, 1], [], []>, transpose_lhs_hint = false} : vector<1024x128xf32>, vector<128x64xf32>, vector<1024x64xf32> -> vector<1024x64xf32>
    %get3A_719 = arith.constant 11 : index
    %get3A_720 = arith.constant 0 : index
    %get3A_721 = vector.load %arg3[%get3A_719, %get3A_720] : memref<16x64xf32, #tpu.memory_space<vmem>>, vector<1x64xf32>
    %get3A_722 = vector.shape_cast %get3A_721 : vector<1x64xf32> to vector<64xf32>
    %broadcast_in_dim3A_723 = vector.shape_cast %get3A_722 : vector<64xf32> to vector<1x64xf32>
    %add3A_724 = vector.broadcast %broadcast_in_dim3A_723 : vector<1x64xf32> to vector<1024x64xf32>
    %add3A_725 = arith.addf %dot_general3A_718, %add3A_724 : vector<1024x64xf32>
    %reduce_max3A_726 = arith.constant dense<0xFF800000> : vector<1024xf32>
    %reduce_max3A_727 = vector.multi_reduction <maximumf>, %add3A_725, %reduce_max3A_726 [1] : vector<1024x64xf32> to vector<1024xf32>
    %broadcast_in_dim3A_728 = vector.shape_cast %reduce_max3A_727 : vector<1024xf32> to vector<1024x1xf32>
    %sub3A_729 = vector.broadcast %broadcast_in_dim3A_728 : vector<1024x1xf32> to vector<1024x64xf32>
    %sub3A_730 = arith.subf %add3A_725, %sub3A_729 : vector<1024x64xf32>
    %exp3A_731 = math.exp %sub3A_730 : vector<1024x64xf32>
    %reduce_sum3A_732 = arith.constant dense<0.000000e+00> : vector<1024xf32>
    %reduce_sum3A_733 = vector.multi_reduction <add>, %exp3A_731, %reduce_sum3A_732 [1] : vector<1024x64xf32> to vector<1024xf32>
    %broadcast_in_dim3A_734 = vector.shape_cast %reduce_sum3A_733 : vector<1024xf32> to vector<1024x1xf32>
    %div3A_735 = vector.broadcast %broadcast_in_dim3A_734 : vector<1024x1xf32> to vector<1024x64xf32>
    %div3A_736 = arith.divf %exp3A_731, %div3A_735 : vector<1024x64xf32>
    %reduce_sum3A_737 = arith.constant dense<0.000000e+00> : vector<64xf32>
    %reduce_sum3A_738 = vector.multi_reduction <add>, %div3A_736, %reduce_sum3A_737 [0] : vector<1024x64xf32> to vector<64xf32>
    %eq3A_739 = vector.broadcast %broadcast_in_dim3A_728 : vector<1024x1xf32> to vector<1024x64xf32>
    %eq3A_740 = arith.cmpf oeq, %add3A_725, %eq3A_739 : vector<1024x64xf32>
    %jit3A_741 = arith.constant 64 : i32
    %broadcast_in_dim3A_742 = vector.broadcast %jit3A_741 : i32 to vector<1024x64xi32>
    %select_n3A_743 = arith.select %eq3A_740, %iota3A, %broadcast_in_dim3A_742 : vector<1024x64xi1>, vector<1024x64xi32>
    %reduce_min3A_744 = arith.constant dense<2147483647> : vector<1024xi32>
    %reduce_min3A_745 = vector.multi_reduction <minsi>, %select_n3A_743, %reduce_min3A_744 [1] : vector<1024x64xi32> to vector<1024xi32>
    %broadcast_in_dim3A_746 = vector.shape_cast %reduce_min3A_745 : vector<1024xi32> to vector<1024x1xi32>
    %broadcast_in_dim3A_747 = vector.shape_cast %reduce_min3A_745 : vector<1024xi32> to vector<1024x1xi32>
    %eq3A_748 = vector.broadcast %broadcast_in_dim3A_747 : vector<1024x1xi32> to vector<1024x64xi32>
    %eq3A_749 = arith.cmpi eq, %iota3A, %eq3A_748 : vector<1024x64xi32>
    %convert_element_type3A_750 = arith.extui %eq3A_749 : vector<1024x64xi1> to vector<1024x64xi32>
    %convert_element_type3A_751 = arith.sitofp %convert_element_type3A_750 : vector<1024x64xi32> to vector<1024x64xf32>
    %reduce_sum3A_752 = arith.constant dense<0.000000e+00> : vector<64xf32>
    %reduce_sum3A_753 = vector.multi_reduction <add>, %convert_element_type3A_751, %reduce_sum3A_752 [0] : vector<1024x64xf32> to vector<64xf32>
    %get3A_754 = arith.constant 11 : index
    %get3A_755 = arith.constant 0 : index
    %get3A_756 = vector.load %arg7[%get3A_754, %get3A_755] : memref<16x64xf32, #tpu.memory_space<vmem>>, vector<1x64xf32>
    %get3A_757 = vector.shape_cast %get3A_756 : vector<1x64xf32> to vector<64xf32>
    %add3A_758 = arith.addf %get3A_757, %reduce_sum3A_738 : vector<64xf32>
    %swap3A_759 = arith.constant 11 : index
    %swap3A_760 = arith.constant 0 : index
    %swap3A_761 = vector.load %arg7[%swap3A_759, %swap3A_760] : memref<16x64xf32, #tpu.memory_space<vmem>>, vector<1x64xf32>
    %swap3A_762 = vector.shape_cast %swap3A_761 : vector<1x64xf32> to vector<64xf32>
    %swap3A_763 = vector.shape_cast %add3A_758 : vector<64xf32> to vector<1x64xf32>
    tpu.vector_store %arg7[%swap3A_759, %swap3A_760], %swap3A_763 {strides = array<i32>} : memref<16x64xf32, #tpu.memory_space<vmem>>, vector<1x64xf32>,
    %get3A_764 = arith.constant 11 : index
    %get3A_765 = arith.constant 0 : index
    %get3A_766 = vector.load %arg8[%get3A_764, %get3A_765] : memref<16x64xf32, #tpu.memory_space<vmem>>, vector<1x64xf32>
    %get3A_767 = vector.shape_cast %get3A_766 : vector<1x64xf32> to vector<64xf32>
    %add3A_768 = arith.addf %get3A_767, %reduce_sum3A_753 : vector<64xf32>
    %swap3A_769 = arith.constant 11 : index
    %swap3A_770 = arith.constant 0 : index
    %swap3A_771 = vector.load %arg8[%swap3A_769, %swap3A_770] : memref<16x64xf32, #tpu.memory_space<vmem>>, vector<1x64xf32>
    %swap3A_772 = vector.shape_cast %swap3A_771 : vector<1x64xf32> to vector<64xf32>
    %swap3A_773 = vector.shape_cast %add3A_768 : vector<64xf32> to vector<1x64xf32>
    tpu.vector_store %arg8[%swap3A_769, %swap3A_770], %swap3A_773 {strides = array<i32>} : memref<16x64xf32, #tpu.memory_space<vmem>>, vector<1x64xf32>,
    %get3A_774 = arith.constant 0 : index
    %get3A_775 = arith.constant 1536 : index
    %get3A_776 = vector.load %arg1[%get3A_774, %get3A_775] : memref<1024x2048xf32, #tpu.memory_space<vmem>>, vector<1024x128xf32>
    %get3A_777 = arith.constant 12 : index
    %get3A_778 = arith.constant 0 : index
    %get3A_779 = arith.constant 0 : index
    %get3A_780 = vector.load %arg2[%get3A_777, %get3A_778, %get3A_779] : memref<16x128x64xf32, #tpu.memory_space<vmem>>, vector<1x128x64xf32>
    %get3A_781 = vector.shape_cast %get3A_780 : vector<1x128x64xf32> to vector<128x64xf32>
    %dot_general3A_782 = arith.constant dense<0.000000e+00> : vector<1024x64xf32>
    %dot_general3A_783 = tpu.matmul %get3A_776, %get3A_781, %dot_general3A_782 {dimension_numbers = #tpu.dot_dimension_numbers<[1], [0], [0], [1], [0, 0, 1, 1], [], []>, transpose_lhs_hint = false} : vector<1024x128xf32>, vector<128x64xf32>, vector<1024x64xf32> -> vector<1024x64xf32>
    %get3A_784 = arith.constant 12 : index
    %get3A_785 = arith.constant 0 : index
    %get3A_786 = vector.load %arg3[%get3A_784, %get3A_785] : memref<16x64xf32, #tpu.memory_space<vmem>>, vector<1x64xf32>
    %get3A_787 = vector.shape_cast %get3A_786 : vector<1x64xf32> to vector<64xf32>
    %broadcast_in_dim3A_788 = vector.shape_cast %get3A_787 : vector<64xf32> to vector<1x64xf32>
    %add3A_789 = vector.broadcast %broadcast_in_dim3A_788 : vector<1x64xf32> to vector<1024x64xf32>
    %add3A_790 = arith.addf %dot_general3A_783, %add3A_789 : vector<1024x64xf32>
    %reduce_max3A_791 = arith.constant dense<0xFF800000> : vector<1024xf32>
    %reduce_max3A_792 = vector.multi_reduction <maximumf>, %add3A_790, %reduce_max3A_791 [1] : vector<1024x64xf32> to vector<1024xf32>
    %broadcast_in_dim3A_793 = vector.shape_cast %reduce_max3A_792 : vector<1024xf32> to vector<1024x1xf32>
    %sub3A_794 = vector.broadcast %broadcast_in_dim3A_793 : vector<1024x1xf32> to vector<1024x64xf32>
    %sub3A_795 = arith.subf %add3A_790, %sub3A_794 : vector<1024x64xf32>
    %exp3A_796 = math.exp %sub3A_795 : vector<1024x64xf32>
    %reduce_sum3A_797 = arith.constant dense<0.000000e+00> : vector<1024xf32>
    %reduce_sum3A_798 = vector.multi_reduction <add>, %exp3A_796, %reduce_sum3A_797 [1] : vector<1024x64xf32> to vector<1024xf32>
    %broadcast_in_dim3A_799 = vector.shape_cast %reduce_sum3A_798 : vector<1024xf32> to vector<1024x1xf32>
    %div3A_800 = vector.broadcast %broadcast_in_dim3A_799 : vector<1024x1xf32> to vector<1024x64xf32>
    %div3A_801 = arith.divf %exp3A_796, %div3A_800 : vector<1024x64xf32>
    %reduce_sum3A_802 = arith.constant dense<0.000000e+00> : vector<64xf32>
    %reduce_sum3A_803 = vector.multi_reduction <add>, %div3A_801, %reduce_sum3A_802 [0] : vector<1024x64xf32> to vector<64xf32>
    %eq3A_804 = vector.broadcast %broadcast_in_dim3A_793 : vector<1024x1xf32> to vector<1024x64xf32>
    %eq3A_805 = arith.cmpf oeq, %add3A_790, %eq3A_804 : vector<1024x64xf32>
    %jit3A_806 = arith.constant 64 : i32
    %broadcast_in_dim3A_807 = vector.broadcast %jit3A_806 : i32 to vector<1024x64xi32>
    %select_n3A_808 = arith.select %eq3A_805, %iota3A, %broadcast_in_dim3A_807 : vector<1024x64xi1>, vector<1024x64xi32>
    %reduce_min3A_809 = arith.constant dense<2147483647> : vector<1024xi32>
    %reduce_min3A_810 = vector.multi_reduction <minsi>, %select_n3A_808, %reduce_min3A_809 [1] : vector<1024x64xi32> to vector<1024xi32>
    %broadcast_in_dim3A_811 = vector.shape_cast %reduce_min3A_810 : vector<1024xi32> to vector<1024x1xi32>
    %broadcast_in_dim3A_812 = vector.shape_cast %reduce_min3A_810 : vector<1024xi32> to vector<1024x1xi32>
    %eq3A_813 = vector.broadcast %broadcast_in_dim3A_812 : vector<1024x1xi32> to vector<1024x64xi32>
    %eq3A_814 = arith.cmpi eq, %iota3A, %eq3A_813 : vector<1024x64xi32>
    %convert_element_type3A_815 = arith.extui %eq3A_814 : vector<1024x64xi1> to vector<1024x64xi32>
    %convert_element_type3A_816 = arith.sitofp %convert_element_type3A_815 : vector<1024x64xi32> to vector<1024x64xf32>
    %reduce_sum3A_817 = arith.constant dense<0.000000e+00> : vector<64xf32>
    %reduce_sum3A_818 = vector.multi_reduction <add>, %convert_element_type3A_816, %reduce_sum3A_817 [0] : vector<1024x64xf32> to vector<64xf32>
    %get3A_819 = arith.constant 12 : index
    %get3A_820 = arith.constant 0 : index
    %get3A_821 = vector.load %arg7[%get3A_819, %get3A_820] : memref<16x64xf32, #tpu.memory_space<vmem>>, vector<1x64xf32>
    %get3A_822 = vector.shape_cast %get3A_821 : vector<1x64xf32> to vector<64xf32>
    %add3A_823 = arith.addf %get3A_822, %reduce_sum3A_803 : vector<64xf32>
    %swap3A_824 = arith.constant 12 : index
    %swap3A_825 = arith.constant 0 : index
    %swap3A_826 = vector.load %arg7[%swap3A_824, %swap3A_825] : memref<16x64xf32, #tpu.memory_space<vmem>>, vector<1x64xf32>
    %swap3A_827 = vector.shape_cast %swap3A_826 : vector<1x64xf32> to vector<64xf32>
    %swap3A_828 = vector.shape_cast %add3A_823 : vector<64xf32> to vector<1x64xf32>
    tpu.vector_store %arg7[%swap3A_824, %swap3A_825], %swap3A_828 {strides = array<i32>} : memref<16x64xf32, #tpu.memory_space<vmem>>, vector<1x64xf32>,
    %get3A_829 = arith.constant 12 : index
    %get3A_830 = arith.constant 0 : index
    %get3A_831 = vector.load %arg8[%get3A_829, %get3A_830] : memref<16x64xf32, #tpu.memory_space<vmem>>, vector<1x64xf32>
    %get3A_832 = vector.shape_cast %get3A_831 : vector<1x64xf32> to vector<64xf32>
    %add3A_833 = arith.addf %get3A_832, %reduce_sum3A_818 : vector<64xf32>
    %swap3A_834 = arith.constant 12 : index
    %swap3A_835 = arith.constant 0 : index
    %swap3A_836 = vector.load %arg8[%swap3A_834, %swap3A_835] : memref<16x64xf32, #tpu.memory_space<vmem>>, vector<1x64xf32>
    %swap3A_837 = vector.shape_cast %swap3A_836 : vector<1x64xf32> to vector<64xf32>
    %swap3A_838 = vector.shape_cast %add3A_833 : vector<64xf32> to vector<1x64xf32>
    tpu.vector_store %arg8[%swap3A_834, %swap3A_835], %swap3A_838 {strides = array<i32>} : memref<16x64xf32, #tpu.memory_space<vmem>>, vector<1x64xf32>,
    %get3A_839 = arith.constant 0 : index
    %get3A_840 = arith.constant 1664 : index
    %get3A_841 = vector.load %arg1[%get3A_839, %get3A_840] : memref<1024x2048xf32, #tpu.memory_space<vmem>>, vector<1024x128xf32>
    %get3A_842 = arith.constant 13 : index
    %get3A_843 = arith.constant 0 : index
    %get3A_844 = arith.constant 0 : index
    %get3A_845 = vector.load %arg2[%get3A_842, %get3A_843, %get3A_844] : memref<16x128x64xf32, #tpu.memory_space<vmem>>, vector<1x128x64xf32>
    %get3A_846 = vector.shape_cast %get3A_845 : vector<1x128x64xf32> to vector<128x64xf32>
    %dot_general3A_847 = arith.constant dense<0.000000e+00> : vector<1024x64xf32>
    %dot_general3A_848 = tpu.matmul %get3A_841, %get3A_846, %dot_general3A_847 {dimension_numbers = #tpu.dot_dimension_numbers<[1], [0], [0], [1], [0, 0, 1, 1], [], []>, transpose_lhs_hint = false} : vector<1024x128xf32>, vector<128x64xf32>, vector<1024x64xf32> -> vector<1024x64xf32>
    %get3A_849 = arith.constant 13 : index
    %get3A_850 = arith.constant 0 : index
    %get3A_851 = vector.load %arg3[%get3A_849, %get3A_850] : memref<16x64xf32, #tpu.memory_space<vmem>>, vector<1x64xf32>
    %get3A_852 = vector.shape_cast %get3A_851 : vector<1x64xf32> to vector<64xf32>
    %broadcast_in_dim3A_853 = vector.shape_cast %get3A_852 : vector<64xf32> to vector<1x64xf32>
    %add3A_854 = vector.broadcast %broadcast_in_dim3A_853 : vector<1x64xf32> to vector<1024x64xf32>
    %add3A_855 = arith.addf %dot_general3A_848, %add3A_854 : vector<1024x64xf32>
    %reduce_max3A_856 = arith.constant dense<0xFF800000> : vector<1024xf32>
    %reduce_max3A_857 = vector.multi_reduction <maximumf>, %add3A_855, %reduce_max3A_856 [1] : vector<1024x64xf32> to vector<1024xf32>
    %broadcast_in_dim3A_858 = vector.shape_cast %reduce_max3A_857 : vector<1024xf32> to vector<1024x1xf32>
    %sub3A_859 = vector.broadcast %broadcast_in_dim3A_858 : vector<1024x1xf32> to vector<1024x64xf32>
    %sub3A_860 = arith.subf %add3A_855, %sub3A_859 : vector<1024x64xf32>
    %exp3A_861 = math.exp %sub3A_860 : vector<1024x64xf32>
    %reduce_sum3A_862 = arith.constant dense<0.000000e+00> : vector<1024xf32>
    %reduce_sum3A_863 = vector.multi_reduction <add>, %exp3A_861, %reduce_sum3A_862 [1] : vector<1024x64xf32> to vector<1024xf32>
    %broadcast_in_dim3A_864 = vector.shape_cast %reduce_sum3A_863 : vector<1024xf32> to vector<1024x1xf32>
    %div3A_865 = vector.broadcast %broadcast_in_dim3A_864 : vector<1024x1xf32> to vector<1024x64xf32>
    %div3A_866 = arith.divf %exp3A_861, %div3A_865 : vector<1024x64xf32>
    %reduce_sum3A_867 = arith.constant dense<0.000000e+00> : vector<64xf32>
    %reduce_sum3A_868 = vector.multi_reduction <add>, %div3A_866, %reduce_sum3A_867 [0] : vector<1024x64xf32> to vector<64xf32>
    %eq3A_869 = vector.broadcast %broadcast_in_dim3A_858 : vector<1024x1xf32> to vector<1024x64xf32>
    %eq3A_870 = arith.cmpf oeq, %add3A_855, %eq3A_869 : vector<1024x64xf32>
    %jit3A_871 = arith.constant 64 : i32
    %broadcast_in_dim3A_872 = vector.broadcast %jit3A_871 : i32 to vector<1024x64xi32>
    %select_n3A_873 = arith.select %eq3A_870, %iota3A, %broadcast_in_dim3A_872 : vector<1024x64xi1>, vector<1024x64xi32>
    %reduce_min3A_874 = arith.constant dense<2147483647> : vector<1024xi32>
    %reduce_min3A_875 = vector.multi_reduction <minsi>, %select_n3A_873, %reduce_min3A_874 [1] : vector<1024x64xi32> to vector<1024xi32>
    %broadcast_in_dim3A_876 = vector.shape_cast %reduce_min3A_875 : vector<1024xi32> to vector<1024x1xi32>
    %broadcast_in_dim3A_877 = vector.shape_cast %reduce_min3A_875 : vector<1024xi32> to vector<1024x1xi32>
    %eq3A_878 = vector.broadcast %broadcast_in_dim3A_877 : vector<1024x1xi32> to vector<1024x64xi32>
    %eq3A_879 = arith.cmpi eq, %iota3A, %eq3A_878 : vector<1024x64xi32>
    %convert_element_type3A_880 = arith.extui %eq3A_879 : vector<1024x64xi1> to vector<1024x64xi32>
    %convert_element_type3A_881 = arith.sitofp %convert_element_type3A_880 : vector<1024x64xi32> to vector<1024x64xf32>
    %reduce_sum3A_882 = arith.constant dense<0.000000e+00> : vector<64xf32>
    %reduce_sum3A_883 = vector.multi_reduction <add>, %convert_element_type3A_881, %reduce_sum3A_882 [0] : vector<1024x64xf32> to vector<64xf32>
    %get3A_884 = arith.constant 13 : index
    %get3A_885 = arith.constant 0 : index
    %get3A_886 = vector.load %arg7[%get3A_884, %get3A_885] : memref<16x64xf32, #tpu.memory_space<vmem>>, vector<1x64xf32>
    %get3A_887 = vector.shape_cast %get3A_886 : vector<1x64xf32> to vector<64xf32>
    %add3A_888 = arith.addf %get3A_887, %reduce_sum3A_868 : vector<64xf32>
    %swap3A_889 = arith.constant 13 : index
    %swap3A_890 = arith.constant 0 : index
    %swap3A_891 = vector.load %arg7[%swap3A_889, %swap3A_890] : memref<16x64xf32, #tpu.memory_space<vmem>>, vector<1x64xf32>
    %swap3A_892 = vector.shape_cast %swap3A_891 : vector<1x64xf32> to vector<64xf32>
    %swap3A_893 = vector.shape_cast %add3A_888 : vector<64xf32> to vector<1x64xf32>
    tpu.vector_store %arg7[%swap3A_889, %swap3A_890], %swap3A_893 {strides = array<i32>} : memref<16x64xf32, #tpu.memory_space<vmem>>, vector<1x64xf32>,
    %get3A_894 = arith.constant 13 : index
    %get3A_895 = arith.constant 0 : index
    %get3A_896 = vector.load %arg8[%get3A_894, %get3A_895] : memref<16x64xf32, #tpu.memory_space<vmem>>, vector<1x64xf32>
    %get3A_897 = vector.shape_cast %get3A_896 : vector<1x64xf32> to vector<64xf32>
    %add3A_898 = arith.addf %get3A_897, %reduce_sum3A_883 : vector<64xf32>
    %swap3A_899 = arith.constant 13 : index
    %swap3A_900 = arith.constant 0 : index
    %swap3A_901 = vector.load %arg8[%swap3A_899, %swap3A_900] : memref<16x64xf32, #tpu.memory_space<vmem>>, vector<1x64xf32>
    %swap3A_902 = vector.shape_cast %swap3A_901 : vector<1x64xf32> to vector<64xf32>
    %swap3A_903 = vector.shape_cast %add3A_898 : vector<64xf32> to vector<1x64xf32>
    tpu.vector_store %arg8[%swap3A_899, %swap3A_900], %swap3A_903 {strides = array<i32>} : memref<16x64xf32, #tpu.memory_space<vmem>>, vector<1x64xf32>,
    %get3A_904 = arith.constant 0 : index
    %get3A_905 = arith.constant 1792 : index
    %get3A_906 = vector.load %arg1[%get3A_904, %get3A_905] : memref<1024x2048xf32, #tpu.memory_space<vmem>>, vector<1024x128xf32>
    %get3A_907 = arith.constant 14 : index
    %get3A_908 = arith.constant 0 : index
    %get3A_909 = arith.constant 0 : index
    %get3A_910 = vector.load %arg2[%get3A_907, %get3A_908, %get3A_909] : memref<16x128x64xf32, #tpu.memory_space<vmem>>, vector<1x128x64xf32>
    %get3A_911 = vector.shape_cast %get3A_910 : vector<1x128x64xf32> to vector<128x64xf32>
    %dot_general3A_912 = arith.constant dense<0.000000e+00> : vector<1024x64xf32>
    %dot_general3A_913 = tpu.matmul %get3A_906, %get3A_911, %dot_general3A_912 {dimension_numbers = #tpu.dot_dimension_numbers<[1], [0], [0], [1], [0, 0, 1, 1], [], []>, transpose_lhs_hint = false} : vector<1024x128xf32>, vector<128x64xf32>, vector<1024x64xf32> -> vector<1024x64xf32>
    %get3A_914 = arith.constant 14 : index
    %get3A_915 = arith.constant 0 : index
    %get3A_916 = vector.load %arg3[%get3A_914, %get3A_915] : memref<16x64xf32, #tpu.memory_space<vmem>>, vector<1x64xf32>
    %get3A_917 = vector.shape_cast %get3A_916 : vector<1x64xf32> to vector<64xf32>
    %broadcast_in_dim3A_918 = vector.shape_cast %get3A_917 : vector<64xf32> to vector<1x64xf32>
    %add3A_919 = vector.broadcast %broadcast_in_dim3A_918 : vector<1x64xf32> to vector<1024x64xf32>
    %add3A_920 = arith.addf %dot_general3A_913, %add3A_919 : vector<1024x64xf32>
    %reduce_max3A_921 = arith.constant dense<0xFF800000> : vector<1024xf32>
    %reduce_max3A_922 = vector.multi_reduction <maximumf>, %add3A_920, %reduce_max3A_921 [1] : vector<1024x64xf32> to vector<1024xf32>
    %broadcast_in_dim3A_923 = vector.shape_cast %reduce_max3A_922 : vector<1024xf32> to vector<1024x1xf32>
    %sub3A_924 = vector.broadcast %broadcast_in_dim3A_923 : vector<1024x1xf32> to vector<1024x64xf32>
    %sub3A_925 = arith.subf %add3A_920, %sub3A_924 : vector<1024x64xf32>
    %exp3A_926 = math.exp %sub3A_925 : vector<1024x64xf32>
    %reduce_sum3A_927 = arith.constant dense<0.000000e+00> : vector<1024xf32>
    %reduce_sum3A_928 = vector.multi_reduction <add>, %exp3A_926, %reduce_sum3A_927 [1] : vector<1024x64xf32> to vector<1024xf32>
    %broadcast_in_dim3A_929 = vector.shape_cast %reduce_sum3A_928 : vector<1024xf32> to vector<1024x1xf32>
    %div3A_930 = vector.broadcast %broadcast_in_dim3A_929 : vector<1024x1xf32> to vector<1024x64xf32>
    %div3A_931 = arith.divf %exp3A_926, %div3A_930 : vector<1024x64xf32>
    %reduce_sum3A_932 = arith.constant dense<0.000000e+00> : vector<64xf32>
    %reduce_sum3A_933 = vector.multi_reduction <add>, %div3A_931, %reduce_sum3A_932 [0] : vector<1024x64xf32> to vector<64xf32>
    %eq3A_934 = vector.broadcast %broadcast_in_dim3A_923 : vector<1024x1xf32> to vector<1024x64xf32>
    %eq3A_935 = arith.cmpf oeq, %add3A_920, %eq3A_934 : vector<1024x64xf32>
    %jit3A_936 = arith.constant 64 : i32
    %broadcast_in_dim3A_937 = vector.broadcast %jit3A_936 : i32 to vector<1024x64xi32>
    %select_n3A_938 = arith.select %eq3A_935, %iota3A, %broadcast_in_dim3A_937 : vector<1024x64xi1>, vector<1024x64xi32>
    %reduce_min3A_939 = arith.constant dense<2147483647> : vector<1024xi32>
    %reduce_min3A_940 = vector.multi_reduction <minsi>, %select_n3A_938, %reduce_min3A_939 [1] : vector<1024x64xi32> to vector<1024xi32>
    %broadcast_in_dim3A_941 = vector.shape_cast %reduce_min3A_940 : vector<1024xi32> to vector<1024x1xi32>
    %broadcast_in_dim3A_942 = vector.shape_cast %reduce_min3A_940 : vector<1024xi32> to vector<1024x1xi32>
    %eq3A_943 = vector.broadcast %broadcast_in_dim3A_942 : vector<1024x1xi32> to vector<1024x64xi32>
    %eq3A_944 = arith.cmpi eq, %iota3A, %eq3A_943 : vector<1024x64xi32>
    %convert_element_type3A_945 = arith.extui %eq3A_944 : vector<1024x64xi1> to vector<1024x64xi32>
    %convert_element_type3A_946 = arith.sitofp %convert_element_type3A_945 : vector<1024x64xi32> to vector<1024x64xf32>
    %reduce_sum3A_947 = arith.constant dense<0.000000e+00> : vector<64xf32>
    %reduce_sum3A_948 = vector.multi_reduction <add>, %convert_element_type3A_946, %reduce_sum3A_947 [0] : vector<1024x64xf32> to vector<64xf32>
    %get3A_949 = arith.constant 14 : index
    %get3A_950 = arith.constant 0 : index
    %get3A_951 = vector.load %arg7[%get3A_949, %get3A_950] : memref<16x64xf32, #tpu.memory_space<vmem>>, vector<1x64xf32>
    %get3A_952 = vector.shape_cast %get3A_951 : vector<1x64xf32> to vector<64xf32>
    %add3A_953 = arith.addf %get3A_952, %reduce_sum3A_933 : vector<64xf32>
    %swap3A_954 = arith.constant 14 : index
    %swap3A_955 = arith.constant 0 : index
    %swap3A_956 = vector.load %arg7[%swap3A_954, %swap3A_955] : memref<16x64xf32, #tpu.memory_space<vmem>>, vector<1x64xf32>
    %swap3A_957 = vector.shape_cast %swap3A_956 : vector<1x64xf32> to vector<64xf32>
    %swap3A_958 = vector.shape_cast %add3A_953 : vector<64xf32> to vector<1x64xf32>
    tpu.vector_store %arg7[%swap3A_954, %swap3A_955], %swap3A_958 {strides = array<i32>} : memref<16x64xf32, #tpu.memory_space<vmem>>, vector<1x64xf32>,
    %get3A_959 = arith.constant 14 : index
    %get3A_960 = arith.constant 0 : index
    %get3A_961 = vector.load %arg8[%get3A_959, %get3A_960] : memref<16x64xf32, #tpu.memory_space<vmem>>, vector<1x64xf32>
    %get3A_962 = vector.shape_cast %get3A_961 : vector<1x64xf32> to vector<64xf32>
    %add3A_963 = arith.addf %get3A_962, %reduce_sum3A_948 : vector<64xf32>
    %swap3A_964 = arith.constant 14 : index
    %swap3A_965 = arith.constant 0 : index
    %swap3A_966 = vector.load %arg8[%swap3A_964, %swap3A_965] : memref<16x64xf32, #tpu.memory_space<vmem>>, vector<1x64xf32>
    %swap3A_967 = vector.shape_cast %swap3A_966 : vector<1x64xf32> to vector<64xf32>
    %swap3A_968 = vector.shape_cast %add3A_963 : vector<64xf32> to vector<1x64xf32>
    tpu.vector_store %arg8[%swap3A_964, %swap3A_965], %swap3A_968 {strides = array<i32>} : memref<16x64xf32, #tpu.memory_space<vmem>>, vector<1x64xf32>,
    %get3A_969 = arith.constant 0 : index
    %get3A_970 = arith.constant 1920 : index
    %get3A_971 = vector.load %arg1[%get3A_969, %get3A_970] : memref<1024x2048xf32, #tpu.memory_space<vmem>>, vector<1024x128xf32>
    %get3A_972 = arith.constant 15 : index
    %get3A_973 = arith.constant 0 : index
    %get3A_974 = arith.constant 0 : index
    %get3A_975 = vector.load %arg2[%get3A_972, %get3A_973, %get3A_974] : memref<16x128x64xf32, #tpu.memory_space<vmem>>, vector<1x128x64xf32>
    %get3A_976 = vector.shape_cast %get3A_975 : vector<1x128x64xf32> to vector<128x64xf32>
    %dot_general3A_977 = arith.constant dense<0.000000e+00> : vector<1024x64xf32>
    %dot_general3A_978 = tpu.matmul %get3A_971, %get3A_976, %dot_general3A_977 {dimension_numbers = #tpu.dot_dimension_numbers<[1], [0], [0], [1], [0, 0, 1, 1], [], []>, transpose_lhs_hint = false} : vector<1024x128xf32>, vector<128x64xf32>, vector<1024x64xf32> -> vector<1024x64xf32>
    %get3A_979 = arith.constant 15 : index
    %get3A_980 = arith.constant 0 : index
    %get3A_981 = vector.load %arg3[%get3A_979, %get3A_980] : memref<16x64xf32, #tpu.memory_space<vmem>>, vector<1x64xf32>
    %get3A_982 = vector.shape_cast %get3A_981 : vector<1x64xf32> to vector<64xf32>
    %broadcast_in_dim3A_983 = vector.shape_cast %get3A_982 : vector<64xf32> to vector<1x64xf32>
    %add3A_984 = vector.broadcast %broadcast_in_dim3A_983 : vector<1x64xf32> to vector<1024x64xf32>
    %add3A_985 = arith.addf %dot_general3A_978, %add3A_984 : vector<1024x64xf32>
    %reduce_max3A_986 = arith.constant dense<0xFF800000> : vector<1024xf32>
    %reduce_max3A_987 = vector.multi_reduction <maximumf>, %add3A_985, %reduce_max3A_986 [1] : vector<1024x64xf32> to vector<1024xf32>
    %broadcast_in_dim3A_988 = vector.shape_cast %reduce_max3A_987 : vector<1024xf32> to vector<1024x1xf32>
    %sub3A_989 = vector.broadcast %broadcast_in_dim3A_988 : vector<1024x1xf32> to vector<1024x64xf32>
    %sub3A_990 = arith.subf %add3A_985, %sub3A_989 : vector<1024x64xf32>
    %exp3A_991 = math.exp %sub3A_990 : vector<1024x64xf32>
    %reduce_sum3A_992 = arith.constant dense<0.000000e+00> : vector<1024xf32>
    %reduce_sum3A_993 = vector.multi_reduction <add>, %exp3A_991, %reduce_sum3A_992 [1] : vector<1024x64xf32> to vector<1024xf32>
    %broadcast_in_dim3A_994 = vector.shape_cast %reduce_sum3A_993 : vector<1024xf32> to vector<1024x1xf32>
    %div3A_995 = vector.broadcast %broadcast_in_dim3A_994 : vector<1024x1xf32> to vector<1024x64xf32>
    %div3A_996 = arith.divf %exp3A_991, %div3A_995 : vector<1024x64xf32>
    %reduce_sum3A_997 = arith.constant dense<0.000000e+00> : vector<64xf32>
    %reduce_sum3A_998 = vector.multi_reduction <add>, %div3A_996, %reduce_sum3A_997 [0] : vector<1024x64xf32> to vector<64xf32>
    %eq3A_999 = vector.broadcast %broadcast_in_dim3A_988 : vector<1024x1xf32> to vector<1024x64xf32>
    %eq3A_1000 = arith.cmpf oeq, %add3A_985, %eq3A_999 : vector<1024x64xf32>
    %jit3A_1001 = arith.constant 64 : i32
    %broadcast_in_dim3A_1002 = vector.broadcast %jit3A_1001 : i32 to vector<1024x64xi32>
    %select_n3A_1003 = arith.select %eq3A_1000, %iota3A, %broadcast_in_dim3A_1002 : vector<1024x64xi1>, vector<1024x64xi32>
    %reduce_min3A_1004 = arith.constant dense<2147483647> : vector<1024xi32>
    %reduce_min3A_1005 = vector.multi_reduction <minsi>, %select_n3A_1003, %reduce_min3A_1004 [1] : vector<1024x64xi32> to vector<1024xi32>
    %broadcast_in_dim3A_1006 = vector.shape_cast %reduce_min3A_1005 : vector<1024xi32> to vector<1024x1xi32>
    %broadcast_in_dim3A_1007 = vector.shape_cast %reduce_min3A_1005 : vector<1024xi32> to vector<1024x1xi32>
    %eq3A_1008 = vector.broadcast %broadcast_in_dim3A_1007 : vector<1024x1xi32> to vector<1024x64xi32>
    %eq3A_1009 = arith.cmpi eq, %iota3A, %eq3A_1008 : vector<1024x64xi32>
    %convert_element_type3A_1010 = arith.extui %eq3A_1009 : vector<1024x64xi1> to vector<1024x64xi32>
    %convert_element_type3A_1011 = arith.sitofp %convert_element_type3A_1010 : vector<1024x64xi32> to vector<1024x64xf32>
    %reduce_sum3A_1012 = arith.constant dense<0.000000e+00> : vector<64xf32>
    %reduce_sum3A_1013 = vector.multi_reduction <add>, %convert_element_type3A_1011, %reduce_sum3A_1012 [0] : vector<1024x64xf32> to vector<64xf32>
    %get3A_1014 = arith.constant 15 : index
    %get3A_1015 = arith.constant 0 : index
    %get3A_1016 = vector.load %arg7[%get3A_1014, %get3A_1015] : memref<16x64xf32, #tpu.memory_space<vmem>>, vector<1x64xf32>
    %get3A_1017 = vector.shape_cast %get3A_1016 : vector<1x64xf32> to vector<64xf32>
    %add3A_1018 = arith.addf %get3A_1017, %reduce_sum3A_998 : vector<64xf32>
    %swap3A_1019 = arith.constant 15 : index
    %swap3A_1020 = arith.constant 0 : index
    %swap3A_1021 = vector.load %arg7[%swap3A_1019, %swap3A_1020] : memref<16x64xf32, #tpu.memory_space<vmem>>, vector<1x64xf32>
    %swap3A_1022 = vector.shape_cast %swap3A_1021 : vector<1x64xf32> to vector<64xf32>
    %swap3A_1023 = vector.shape_cast %add3A_1018 : vector<64xf32> to vector<1x64xf32>
    tpu.vector_store %arg7[%swap3A_1019, %swap3A_1020], %swap3A_1023 {strides = array<i32>} : memref<16x64xf32, #tpu.memory_space<vmem>>, vector<1x64xf32>,
    %get3A_1024 = arith.constant 15 : index
    %get3A_1025 = arith.constant 0 : index
    %get3A_1026 = vector.load %arg8[%get3A_1024, %get3A_1025] : memref<16x64xf32, #tpu.memory_space<vmem>>, vector<1x64xf32>
    %get3A_1027 = vector.shape_cast %get3A_1026 : vector<1x64xf32> to vector<64xf32>
    %add3A_1028 = arith.addf %get3A_1027, %reduce_sum3A_1013 : vector<64xf32>
    %swap3A_1029 = arith.constant 15 : index
    %swap3A_1030 = arith.constant 0 : index
    %swap3A_1031 = vector.load %arg8[%swap3A_1029, %swap3A_1030] : memref<16x64xf32, #tpu.memory_space<vmem>>, vector<1x64xf32>
    %swap3A_1032 = vector.shape_cast %swap3A_1031 : vector<1x64xf32> to vector<64xf32>
    %swap3A_1033 = vector.shape_cast %add3A_1028 : vector<64xf32> to vector<1x64xf32>
    tpu.vector_store %arg8[%swap3A_1029, %swap3A_1030], %swap3A_1033 {strides = array<i32>} : memref<16x64xf32, #tpu.memory_space<vmem>>, vector<1x64xf32>,
    %concatenate3A = tpu.concatenate %broadcast_in_dim3A_31, %broadcast_in_dim3A_96, %broadcast_in_dim3A_161, %broadcast_in_dim3A_226, %broadcast_in_dim3A_291, %broadcast_in_dim3A_356, %broadcast_in_dim3A_421, %broadcast_in_dim3A_486, %broadcast_in_dim3A_551, %broadcast_in_dim3A_616, %broadcast_in_dim3A_681, %broadcast_in_dim3A_746, %broadcast_in_dim3A_811, %broadcast_in_dim3A_876, %broadcast_in_dim3A_941, %broadcast_in_dim3A_1006 in 1 : vector<1024x1xi32>, vector<1024x1xi32>, vector<1024x1xi32>, vector<1024x1xi32>, vector<1024x1xi32>, vector<1024x1xi32>, vector<1024x1xi32>, vector<1024x1xi32>, vector<1024x1xi32>, vector<1024x1xi32>, vector<1024x1xi32>, vector<1024x1xi32>, vector<1024x1xi32>, vector<1024x1xi32>, vector<1024x1xi32>, vector<1024x1xi32> -> vector<1024x16xi32>
    %swap3A_1034 = arith.constant 0 : index
    %swap3A_1035 = arith.constant 0 : index
    %swap3A_1036 = vector.load %arg5[%swap3A_1034, %swap3A_1035] : memref<1024x16xi32, #tpu.memory_space<vmem>>, vector<1024x16xi32>
    tpu.vector_store %arg5[%swap3A_1034, %swap3A_1035], %concatenate3A {strides = array<i32>} : memref<1024x16xi32, #tpu.memory_space<vmem>>, vector<1024x16xi32>,
    %eq3A_1037 = arith.constant 7 : i32
    %eq3A_1038 = arith.cmpi eq, %arg0, %eq3A_1037 : i32
    %convert_element_type3A_1039 = arith.extui %eq3A_1038 : i1 to i32
    %cond3A_1040 = arith.constant 0 : i32
    %cond3A_1041 = arith.cmpi ne, %convert_element_type3A_1039, %cond3A_1040 : i32
    scf.if %cond3A_1041 {
      %get3A_1042 = arith.constant 0 : index
      %get3A_1043 = arith.constant 0 : index
      %get3A_1044 = vector.load %arg7[%get3A_1042, %get3A_1043] : memref<16x64xf32, #tpu.memory_space<vmem>>, vector<16x64xf32>
      %get3A_1045 = arith.constant 0 : index
      %get3A_1046 = arith.constant 0 : index
      %get3A_1047 = vector.load %arg8[%get3A_1045, %get3A_1046] : memref<16x64xf32, #tpu.memory_space<vmem>>, vector<16x64xf32>
      %mul3A = arith.mulf %get3A_1044, %get3A_1047 : vector<16x64xf32>
      %reduce_sum3A_1048 = vector.shape_cast %mul3A : vector<16x64xf32> to vector<1x16x64xf32>
      %reduce_sum3A_1049 = arith.constant dense<0.000000e+00> : vector<1xf32>
      %reduce_sum3A_1050 = vector.multi_reduction <add>, %reduce_sum3A_1048, %reduce_sum3A_1049 [1, 2] : vector<1x16x64xf32> to vector<1xf32>
      %reduce_sum3A_1051 = vector.shape_cast %reduce_sum3A_1050 : vector<1xf32> to vector<1x1x1xf32>
      %reduce_sum3A_1052 = vector.extract %reduce_sum3A_1051[0, 0, 0] : f32 from vector<1x1x1xf32>
      %broadcast_in_dim3A_1053 = vector.broadcast %reduce_sum3A_1052 : f32 to vector<1x1xf32>
      %mul3A_1054 = arith.constant 9.53674316E-7 : f32
      %mul3A_1055 = vector.broadcast %mul3A_1054 : f32 to vector<1x1xf32>
      %mul3A_1056 = arith.mulf %mul3A_1055, %broadcast_in_dim3A_1053 : vector<1x1xf32>
      %swap3A_1057 = arith.constant 0 : index
      %swap3A_1058 = arith.constant 0 : index
      %swap3A_1059 = vector.load %arg6[%swap3A_1057, %swap3A_1058] : memref<1x1xf32, #tpu.memory_space<vmem>>, vector<1x1xf32>
      tpu.vector_store %arg6[%swap3A_1057, %swap3A_1058], %mul3A_1056 {strides = array<i32>} : memref<1x1xf32, #tpu.memory_space<vmem>>, vector<1x1xf32>,
    } else {
    }
    return
  }
  func.func @transform_0(%arg0: i32) -> (i32, i32) {
    %c0_i32 = arith.constant 0 : i32
    %c0_i32_0 = arith.constant 0 : i32
    return %arg0, %c0_i32 : i32, i32
  }
  func.func @transform_1(%arg0: i32) -> (i32, i32, i32) {
    %c0_i32 = arith.constant 0 : i32
    %c0_i32_0 = arith.constant 0 : i32
    %c0_i32_1 = arith.constant 0 : i32
    %c0_i32_2 = arith.constant 0 : i32
    return %c0_i32, %c0_i32_0, %c0_i32_1 : i32, i32, i32
  }
  func.func @transform_2(%arg0: i32) -> (i32, i32) {
    %c0_i32 = arith.constant 0 : i32
    %c0_i32_0 = arith.constant 0 : i32
    %c0_i32_1 = arith.constant 0 : i32
    return %c0_i32, %c0_i32_0 : i32, i32
  }
  func.func @transform_3(%arg0: i32) -> (i32, i32) {
    %c0_i32 = arith.constant 0 : i32
    %c0_i32_0 = arith.constant 0 : i32
    return %arg0, %c0_i32 : i32, i32
  }
  func.func @transform_4(%arg0: i32) -> (i32, i32) {
    %c0_i32 = arith.constant 0 : i32
    %c0_i32_0 = arith.constant 0 : i32
    return %arg0, %c0_i32 : i32, i32
  }
  func.func @transform_5(%arg0: i32) -> (i32, i32) {
    %c0_i32 = arith.constant 0 : i32
    %c0_i32_0 = arith.constant 0 : i32
    %c0_i32_1 = arith.constant 0 : i32
    return %c0_i32, %c0_i32_0 : i32, i32
  }
}

</mosaic_0001>

<sc_bundles>
// kernel: sparse-core-data-format-call.cloned.1.call-start
scs
called_computation_lowered:
.L_overlay_start_0:
0x0: {  	s2 =	sld [smem:$0x3FD9]  }
0x1: {  	s3 =	sld [smem:$0x3FFE];
	_ =	sdelay $0x1  }
0x2: {  	s1 =	srdreg.scid  }
0x3: {  	s0 =	sand.u32 $0x1, s1  }
0x4: {  	s18 =	sshll.u32 s0, $0xA;
	s2 =	sadd.s32 s3, s2  }
0x5: {  	s2 =	sadd.s32 s2, s18  }
0x6: {  	[smem:$0x3FC5] =	sst s2  }
0x7: {  	_ = 	snop  }
0x8: {  	s2 =	sld [smem:$0x3FC9];
	(tm) =	ssettm $0x1  }
0x9: {  	s19 =	sld [smem:$0x3FFB];
	_ =	sdelay $0x3  }
0xa: {  	_ =	strace s19  }
0xb: {  	s3 =	sld [smem:$0x3FFC];
	_ =	sdelay $0x3  }
0xc: {  	_ =	strace s3  }
0xd: {  	s3 =	sld [smem:$0x3FFD];
	_ =	sdelay $0x3  }
0xe: {  	_ =	strace s3  }
0xf: {  	_ =	strace $0x8FFFFFFF  }
0x10: {  	s20 =	sld [smem:$0x3FDB];
	_ =	sdelay $0x1  }
0x11: {  	s4 =	simm.s32 $_scs_section_size  }
0x12: {  	s5 =	simm.s32 $_size__tile_overlayer_lowered;
	s6 =	simm.s32 $_tile_overlayer_lowered  }
0x13: {  	s23 =	simm.s32 $0x1BFF;
	s22 =	sshll.u32 s6, $0x1;
	s3 =	sadd.s32 s4, s20  }
0x14: {  	s7 =	simm.s32 $0x0;
	s21 =	sshll.u32 s5, $0x1;
	s5 =	sadd.s32 s22, s3  }
0x15: {  	[timem:s7], [sflag:s23] =	dma.local [hbm:s5], s21  }
0x16: {  	_ =	swait.ge [sflag:s23], s21  }
0x17: {  	s4 =	ssub.s32 $0x0, s21;
	[sflag:s23] =	ssyncset.done $0x0  }
0x18: {  	[sflag:s23] =	ssyncadd.s32 s4;
	_ =	sdelay $0x1  }
0x19: {  	s24 =	simm.s32 $0x1B8B  }
0x1a: {  	_ =	swait.ge [sflag:s24], $0x1  }
0x1b: {  	[sflag:s24] =	ssyncset.done $0x0  }
0x1c: {  	s26 =	simm.s32 $0x1B8E;
	s25 =	sld [smem:$0x3FFE];
	[sflag:s24] =	ssyncadd.s32 $0xFFFFFFFF  }
0x1d: {  	s27 =	simm.s32 $execute0_lowered;
	[smem:$0x3FD2] =	sst s26  }
0x1e: {  	s5 =	sshll.u32 s27, $0x1;
	_ =	strace $0x80000046;
	[dreg:$0x1] =	wrdreg $0xFFFFFFFF  }
0x1f: {  	s28 =	simm.s32 $_size_execute0_lowered;
	s3 =	sadd.s32 s3, s5;
	[dreg:$0x0] =	wrdreg $0x0  }
0x20: {  	s5 =	sshll.u32 s28, $0x1;
	[dreg:$0x2] =	wrdreg s3  }
0x21: {  	[dreg:$0x3] =	wrdreg s5  }
0x22: {  	[dreg:$0x4] =	wrdreg $0xC0  }
0x23: {  	_ =	task [dreg:s7], $0x5FFFF  }
0x24: {  	[dreg:$0x1] =	wrdreg $0xFFFFFFFF  }
0x25: {  	[dreg:$0x0] =	wrdreg $0x60  }
0x26: {  	[dreg:$0x2] =	wrdreg s2  }
0x27: {  	[dreg:$0x3] =	wrdreg s25  }
0x28: {  	[dreg:$0x4] =	wrdreg $0x9  }
0x29: {  	_ =	task.clear_ibuf [dreg:s7], $0x5FFFF;
	_ =	strace $0x90000046  }
0x2a: {  	s29 =	simm.s32 $0x9;
	_ =	strace $0x80000048  }
0x2b: {  	_ =	swait.ge [sflag:s29], $0x1  }
0x2c: {  	[sflag:s29] =	ssyncadd.s32 $0xFFFFFFFF  }
0x2d: {  	_ =	strace $0x90000048  }
0x2e: {  	_ =	sfence  }
0x2f: {  	s30 =	sld [smem:$0x0];
	_ =	sdelay $0x2  }
0x30: {  	s31 =	sshll.u32 s1, $0xD;
	s1 =	sshrl.u32 s1, $0x2  }
0x31: {  	s3 =	sand.u32 $0x4000, s31;
	s1 =	sadd.s32 s1, s30  }
0x32: {  	s0 =	sor.u32 s3, s0;
	s1 =	sshll.u32 s1, $0x11  }
0x33: {  	s0 =	sor.u32 s1, s0  }
0x34: {  	s0 =	sadd.s32 $0x8F2B, s0  }
0x35: {  	[sflag:s0] =	ssyncadd.remote.s32 $0x1  }
0x36: {  	_ =	sfence.sel $0xFFFF  }
0x37: {  	[dreg:$0x0] =	wrdreg $0xFFFFFFFF;
	(pc) =	sbr.abs _section_cstart, $3  }
0x38: {  	[dreg:$0x1] =	wrdreg $0xFFFFFFFF  }
0x39: {  	_ =	task.clear_ibuf [dreg:s7], $0x2FFFF;
	_ =	strace $0x9FFFFFFF  }
0x3a: {  	(tm) =	ssettm $0x7FFFFFFF  }
0x3b: {  	_ =	shalt  }
tec
execute0_lowered:
.L_overlay_start_1:
0x0: {  	(tag) =	ssettag $0x1  }
0x1: {  	s2 =	rddreg [dreg:$0x0]  }
0x2: {  	s1 =	rddreg [dreg:$0x1]  }
0x3: {  	s0 =	rddreg [dreg:$0x2];
	_ =	strace $0x80000047;
	s4 =	srdreg.scid  }
.Ltmp0:
0x4: {  	s6 =	simm.s32 $0x2;
	p0 =	por $0x0, $0x0;
	(pc) =	sbr.rel .LBB1_1-.Ltmp0, $4  }
0x5: {  	s9 =	simm.s32 $0x0;
	s3 =	sadd.s32 $0xA00, s1;
	s5 =	sshll.u32 s4, $0x4  }
0x6: {  	s1 =	stileid.u32;
	s4 =	simm.s32 $0x1;
	s5 =	sand.u32 $0x10, s5  }
0x7: {  	s7 =	simm.s32 $0x0;
	[sflag:s4] =	ssyncpa.u1 $0x0;
	s5 =	sor.u32 s1, s5  }
0x8: {  	[sflag:s6] =	ssyncpa.u1 $0x0;
	s6 =	simm.s32 $0x0;
	s8 =	smov.u32 s5  }
.LBB1_7:
0x9: {  	s11 =	sadd.s32 $0x20, s8  }
0xa: {  	p1 =	slt.u32 s7, $0x2;
	s7 =	sadd.s32 $0x1, s7;
	p2 =	sgt.s32 s11, $0x3FF  }
0xb: {  	s11 =	smov.u32 @p2 s5;
	p2 =	sne.s32 s7, $0x22  }
.Ltmp1:
0xc: {  	_ = 	snop;
	(pc) =	sbr.rel @!p2 .LBB1_8-.Ltmp1, $4  }
0xd: {  	s10 =	simm.s32 @!p1 $0x2  }
0xe: {  	_ =	swait.ge @!p1 [sflag:s10], $0x4000  }
0xf: {  	s9 =	smov.u32 s8;
	[sflag:s10] =	ssyncset.done @!p1 $0x0  }
0x10: {  	p0 =	por !p0, !p0;
	s8 =	smov.u32 s11;
	[sflag:s10] =	ssyncadd.s32 @!p1 $0xFFFFC000  }
.LBB1_1:
0x11: {  	p1 =	sgt.u32 s7, $0x1F  }
0x12: {  	s10 =	sxor.u32 @!p1 $0xFFFFFFFF, s7  }
0x13: {  	s11 =	sshll.u32 @!p1 s8, $0xB;
	s10 =	sshll.u32 @!p1 s10, $0xE  }
0x14: {  	s12 =	simm.s32 @!p1 $0x0;
	s11 =	sadd.s32 @!p1 s2, s11;
	s10 =	sand.u32 @!p1 $0x4000, s10  }
0x15: {  	[tilespmem:s10], [sflag:$0x1] =	stream.linear.gather @!p1 [hbm4b:s11+s12], $0x4000, $0x38;
	[tilespmem:$0x10000] =	vst v63  }
0x16: {  	p1 =	seq.s32 s7, $0x0  }
0x17: {  	p2 =	seq.s32 @!p1 s7, $0x21  }
0x18: {  	p1 =	por p1, p2  }
.Ltmp2:
0x19: {  	_ = 	snop;
	(pc) =	sbr.rel @p1 .LBB1_7-.Ltmp2, $1  }
0x1a: {  	_ =	sdelay $0x3  }
0x1b: {  	s10 =	simm.s32 $0x1;
	_ =	swait.ge [sflag:s4], $0x4000;
	s12 =	sshll.u32 s7, $0xE  }
0x1c: {  	s13 =	simm.s32 $0x0;
	s10 =	simm.s32 @!p0 $0x0;
	[sflag:s4] =	ssyncset.done $0x0  }
0x1d: {  	s12 =	sand.u32 $0x4000, s12;
	s11 =	sshll.u32 s10, $0xE;
	[sflag:s4] =	ssyncadd.s32 $0xFFFFC000  }
0x1e: {  	s12 =	sor.u32 $0x8000, s12;
	s10 =	sor.u32 $0x8040, s11;
	s11 =	sor.u32 $0x40, s11  }
.LBB1_3:
0x1f: {  	v0 =	vmov s11;
	_ =	sdelay $0x3  }
0x20: {  	s15 =	simm.s32 $0x0  }
0x21: {  	v6 =	vld.idx.msk [tilespmem:v0+s15+$0x30 ss:$0x1], $0xffff  }
0x22: {  	v7 =	vld.idx.msk [tilespmem:v0+s15+$0xFFFFFFC0 ss:$0x1], $0xffff  }
0x23: {  	v5 =	vld.idx.msk [tilespmem:v0+s15+$0xFFFFFFD0 ss:$0x1], $0xffff  }
0x24: {  	v4 =	vld.idx.msk [tilespmem:v0+s15+$0xFFFFFFE0 ss:$0x1], $0xffff  }
0x25: {  	v3 =	vld.idx.msk [tilespmem:v0+s15+$0xFFFFFFF0 ss:$0x1], $0xffff  }
0x26: {  	v1 =	vld.idx.msk [tilespmem:v0+s15+$0x0 ss:$0x1], $0xffff  }
0x27: {  	v2 =	vld.idx.msk [tilespmem:v0+s15+$0x10 ss:$0x1], $0xffff;
	[tilespmem:s10+$0x30] =	vst v6  }
0x28: {  	s14 =	simm.s32 $0x80;
	s16 =	simm.s32 $0x400;
	[tilespmem:s10+$0xFFFFFFC0] =	vst v7;
	v6 =	vld.idx.msk [tilespmem:v0+s15+$0x20 ss:$0x1], $0xffff;
	s15 =	smov.u32 s10  }
.LBB1_4:
0x29: {  	p1 =	sne.s32 s16, $0x1E00;
	v7 =	vld.idx.msk [tilespmem:v0+s14+$0x30 ss:$0x1], $0xffff;
	[tilespmem:s15+$0xFFFFFFD0] =	vst v5  }
0x2a: {  	v8 =	vld.idx.msk [tilespmem:v0+s14+$0xFFFFFFC0 ss:$0x1], $0xffff;
	[tilespmem:s15+$0xFFFFFFE0] =	vst v4  }
0x2b: {  	v5 =	vld.idx.msk [tilespmem:v0+s14+$0xFFFFFFD0 ss:$0x1], $0xffff;
	[tilespmem:s15+$0xFFFFFFF0] =	vst v3  }
.Ltmp3:
0x2c: {  	v4 =	vld.idx.msk [tilespmem:v0+s14+$0xFFFFFFE0 ss:$0x1], $0xffff;
	[tilespmem:s15+$0x0] =	vst v1;
	(pc) =	sbr.rel @p1 .LBB1_4-.Ltmp3, $4  }
0x2d: {  	v3 =	vld.idx.msk [tilespmem:v0+s14+$0xFFFFFFF0 ss:$0x1], $0xffff;
	[tilespmem:s15+$0x10] =	vst v2  }
0x2e: {  	v1 =	vld.idx.msk [tilespmem:v0+s14+$0x0 ss:$0x1], $0xffff;
	[tilespmem:s15+$0x20] =	vst v6;
	s15 =	sadd.s32 $0x400, s15  }
0x2f: {  	v2 =	vld.idx.msk [tilespmem:v0+s14+$0x10 ss:$0x1], $0xffff;
	[tilespmem:s15+$0x30] =	vst v7  }
0x30: {  	[tilespmem:s15+$0xFFFFFFC0] =	vst v8;
	v6 =	vld.idx.msk [tilespmem:v0+s14+$0x20 ss:$0x1], $0xffff;
	s14 =	sshra.s32 s16, $0x2;
	s16 =	sadd.s32 $0x200, s16  }
0x31: {  	_ =	sdelay $0x2  }
0x32: {  	[tilespmem:s15+$0xFFFFFFD0] =	vst v5  }
0x33: {  	v56 =	vld.idx.msk [tilespmem:v0+s14+$0x30 ss:$0x1], $0xffff;
	[tilespmem:s15+$0xFFFFFFE0] =	vst v4  }
0x34: {  	v57 =	vld.idx.msk [tilespmem:v0+s14+$0xFFFFFFC0 ss:$0x1], $0xffff;
	[tilespmem:s15+$0xFFFFFFF0] =	vst v3  }
0x35: {  	v58 =	vld.idx.msk [tilespmem:v0+s14+$0xFFFFFFD0 ss:$0x1], $0xffff;
	[tilespmem:s15+$0x0] =	vst v1  }
0x36: {  	v59 =	vld.idx.msk [tilespmem:v0+s14+$0xFFFFFFE0 ss:$0x1], $0xffff;
	[tilespmem:s15+$0x10] =	vst v2  }
0x37: {  	v60 =	vld.idx.msk [tilespmem:v0+s14+$0xFFFFFFF0 ss:$0x1], $0xffff;
	s31 =	sadd.s32 $0x400, s15;
	[tilespmem:s15+$0x20] =	vst v6  }
0x38: {  	v61 =	vld.idx.msk [tilespmem:v0+s14+$0x0 ss:$0x1], $0xffff;
	[tilespmem:s31+$0x30] =	vst v56  }
0x39: {  	v62 =	vld.idx.msk [tilespmem:v0+s14+$0x10 ss:$0x1], $0xffff;
	s13 =	sadd.s32 $0x1, s13;
	[tilespmem:s31+$0xFFFFFFC0] =	vst v57  }
0x3a: {  	v63 =	vld.idx.msk [tilespmem:v0+s14+$0x20 ss:$0x1], $0xffff;
	p1 =	sne.s32 s13, $0x8;
	[tilespmem:s31+$0xFFFFFFD0] =	vst v58  }
.Ltmp4:
0x3b: {  	[tilespmem:s31+$0xFFFFFFE0] =	vst v59;
	(pc) =	sbr.rel @p1 .LBB1_3-.Ltmp4, $4  }
0x3c: {  	[tilespmem:s31+$0xFFFFFFF0] =	vst v60  }
0x3d: {  	[tilespmem:s31+$0x0] =	vst v61  }
0x3e: {  	[tilespmem:s31+$0x10] =	vst v62  }
0x3f: {  	s10 =	sadd.s32 $0x80, s10;
	s11 =	sadd.s32 $0x800, s11;
	[tilespmem:s31+$0x20] =	vst v63  }
.Ltmp5:
0x40: {  	(pc) =	sbr.rel .LBB1_7-.Ltmp5, $4  }
0x41: {  	_ = 	snop  }
0x42: {  	s9 =	sshll.u32 s9, $0xB  }
0x43: {  	s9 =	sadd.s32 s3, s9  }
0x44: {  	[hbm4b:s9+s6] =	stream.linear.scatter [tilespmem:s12], [sflag:$0x2], $0x4000, $0x38;
	[tilespmem:$0x10000] =	vst v63  }
.LBB1_8:
0x45: {  	_ =	sfence.sel $0x180000  }
0x46: {  	s2 =	simm.s32 $0x1;
	[bflag:$0x0] =	sbarrier.arrive $0xFFFF  }
0x47: {  	s31 =	simm.s32 $0x2;
	[sflag:s2] =	ssyncpa.u1 $0x1  }
0x48: {  	[sflag:s31] =	ssyncpa.u1 $0x1  }
0x49: {  	p0 =	sne.s32 s1, $0x0;
	_ =	strace $0x90000047  }
0x4a: {  	s0 =	sadd.s32 @!p0 $0x100000, s0;
	[bflag:$0x2] =	sbarrier.arrive $0xFFFF  }
0x4b: {  	[sflag:s0] =	ssyncadd.tile.s32 @!p0 $0x1;
	_ =	shalt  }
.Lfunc_end1:
_tile_overlayer_lowered:
.L_overlay_start_2:
0x4c: {  	(tag) =	ssettag $0x2  }
0x4d: {  	s0 =	rddreg [dreg:$0x0];
	s2 =	stileid.u32  }
0x4e: {  	s1 =	rddreg [dreg:$0x1];
	p0 =	sne.s32 s2, $0x0  }
0x4f: {  	s3 =	rddreg [dreg:$0x2];
	[bflag:$0x3] =	sbarrier.arrive $0xFFFF;
	s2 =	simm.s32 @!p0 $0x1C01  }
0x50: {  	[timem:s3], [sflag:s2] =	dma.local @!p0 [hbm:s0], s1  }
0x51: {  	s0 =	simm.s32 @!p0 $0x1  }
0x52: {  	_ =	swait.ge @!p0 [sflag:s0], s1  }
0x53: {  	s1 =	ssub.s32 @!p0 $0x0, s1;
	[sflag:s0] =	ssyncset.done @!p0 $0x0  }
0x54: {  	[sflag:s0] =	ssyncadd.s32 @!p0 s1  }
0x55: {  	[bflag:$0x3] =	sbarrier.arrive $0xFFFF  }
0x56: {  	_ =	shalt  }

</sc_bundles>
